<compile_context>
chip_gen: v7x
topology: tpu7x:2x2x1
jax: 0.10.2.dev20260603
libtpu: 0.0.44.dev20260713+nightly
codegen_flags: <defaults>
</compile_context>

<pallas_src>
import functools

import jax
import jax.numpy as jnp
from jax import lax
from jax.experimental import pallas as pl
from jax.experimental.pallas import tpu as pltpu
from jax.experimental.pallas import tpu_sc as plsc

N = 10000
E = 320000
D = 128
R = 3
NQ = 4
DQ = D // NQ
NC, NS, LANES = 2, 16, 16
CH = 128
CHUNKS = 158
E_PAD = NS * CH * CHUNKS
ACC_TILE_ROWS = 1920
ACC_ROWS = NS * ACC_TILE_ROWS
DUMMY = R * N
OUT_TILE_ROWS = 1880
LAST_TILE_ROWS = R * N - (NS - 1) * OUT_TILE_ROWS
ZROWS = 480
BN_EPS = 1e-5
BLK = 2000
NBLK = N // BLK

_sc_mesh = plsc.VectorSubcoreMesh(core_axis_name="c", subcore_axis_name="s")


@functools.partial(
    pl.kernel,
    mesh=_sc_mesh,
    out_type=jax.ShapeDtypeStruct((R * N, D), jnp.float32),
    scratch_types=[
        pltpu.VMEM((CHUNKS, CH), jnp.int32),
        pltpu.VMEM((CHUNKS, CH), jnp.int32),
        pltpu.VMEM((CH, DQ), jnp.float32),
        pltpu.VMEM((CH, DQ), jnp.float32),
        pltpu.VMEM((ZROWS, DQ), jnp.float32),
        pltpu.VMEM_SHARED((ACC_ROWS, DQ), jnp.float32),
        pltpu.SemaphoreType.DMA,
        pltpu.SemaphoreType.DMA,
        pltpu.SemaphoreType.DMA,
    ],
    compiler_params=pltpu.CompilerParams(use_tc_tiling_on_sc=False),
)
def _sc_agg(gidx_hbm, sidx_hbm, vq_hbm, out_hbm, gix, six,
            rows0, rows1, zb, acc, sem, gs0, gs1):
    c = lax.axis_index("c")
    t = lax.axis_index("s")
    bufs = (rows0, rows1)
    gsems = (gs0, gs1)

    cp = pltpu.async_copy(sidx_hbm.at[t], six, sem)
    zv = jnp.zeros((LANES,), jnp.float32)

    @pl.loop(0, ZROWS)
    def _(i):
        for k in range(DQ // LANES):
            zb.at[i, pl.ds(k * LANES, LANES)][...] = zv

    cp.wait()

    for p in range(NQ // NC):
        q = c + 2 * p
        pltpu.sync_copy(gidx_hbm.at[(c * 2 + p) * NS + t], gix)
        for b in range(2):
            pltpu.async_copy(vq_hbm.at[gix.at[b]], bufs[b], gsems[b])
        base = t * ACC_TILE_ROWS
        for k in range(ACC_TILE_ROWS // ZROWS):
            pltpu.sync_copy(zb, acc.at[pl.ds(base + k * ZROWS, ZROWS)])
        plsc.subcore_barrier()

        @pl.loop(0, CHUNKS // 2)
        def _(k):
            j = 2 * k
            for b in range(2):
                pltpu.make_async_copy(vq_hbm.at[gix.at[j + b]], bufs[b],
                                      gsems[b]).wait()
                pltpu.sync_copy(bufs[b], acc.at[six.at[j + b]], add=True)

                @pl.when(k < CHUNKS // 2 - 1)
                def _():
                    pltpu.async_copy(vq_hbm.at[gix.at[j + b + 2]], bufs[b],
                                     gsems[b])

        plsc.subcore_barrier()
        ob = t * OUT_TILE_ROWS

        @pl.when(t < NS - 1)
        def _():
            pltpu.sync_copy(acc.at[pl.ds(ob, OUT_TILE_ROWS)],
                            out_hbm.at[pl.ds(ob, OUT_TILE_ROWS),
                                       pl.ds(q * DQ, DQ)])

        @pl.when(t == NS - 1)
        def _():
            pltpu.sync_copy(acc.at[pl.ds(ob, LAST_TILE_ROWS)],
                            out_hbm.at[pl.ds(ob, LAST_TILE_ROWS),
                                       pl.ds(q * DQ, DQ)])

        plsc.subcore_barrier()


def _tc1_body(x_ref, agg_ref, w1aT, w2aT, w1bT, w2bT,
              b1a, b2a, b1b, b2b, o3, s_ref, ss_ref):
    i = pl.program_id(0)
    x = x_ref[...]
    a = agg_ref[...]
    asum = a[0] + a[1] + a[2]
    s = jnp.zeros((1, D), jnp.float32)
    ss = jnp.zeros((1, D), jnp.float32)
    f32 = jnp.float32
    for r in range(R):
        h1 = x + a[r]
        h2 = x + (asum - a[r])
        g1 = jnp.maximum(jnp.dot(h1, w1aT[...], preferred_element_type=f32)
                         + b1a[...], 0.0)
        v1 = jnp.dot(g1, w2aT[...], preferred_element_type=f32) + b2a[...]
        g2 = jnp.maximum(jnp.dot(h2, w1bT[...], preferred_element_type=f32)
                         + b1b[...], 0.0)
        v2 = jnp.dot(g2, w2bT[...], preferred_element_type=f32) + b2b[...]
        o = v1 + v2
        o3[r] = o
        s = s + jnp.sum(o, axis=0, keepdims=True)
        ss = ss + jnp.sum(o * o, axis=0, keepdims=True)

    @pl.when(i == 0)
    def _():
        s_ref[...] = s
        ss_ref[...] = ss

    @pl.when(i > 0)
    def _():
        s_ref[...] += s
        ss_ref[...] += ss


_tc1 = pl.pallas_call(
    _tc1_body,
    grid=(NBLK,),
    in_specs=[
        pl.BlockSpec((BLK, D), lambda i: (i, 0)),
        pl.BlockSpec((R, BLK, D), lambda i: (0, i, 0)),
        pl.BlockSpec((D, D), lambda i: (0, 0)),
        pl.BlockSpec((D, D), lambda i: (0, 0)),
        pl.BlockSpec((D, D), lambda i: (0, 0)),
        pl.BlockSpec((D, D), lambda i: (0, 0)),
        pl.BlockSpec((1, D), lambda i: (0, 0)),
        pl.BlockSpec((1, D), lambda i: (0, 0)),
        pl.BlockSpec((1, D), lambda i: (0, 0)),
        pl.BlockSpec((1, D), lambda i: (0, 0)),
    ],
    out_specs=[
        pl.BlockSpec((R, BLK, D), lambda i: (0, i, 0)),
        pl.BlockSpec((1, D), lambda i: (0, 0)),
        pl.BlockSpec((1, D), lambda i: (0, 0)),
    ],
    out_shape=[
        jax.ShapeDtypeStruct((R, N, D), jnp.float32),
        jax.ShapeDtypeStruct((1, D), jnp.float32),
        jax.ShapeDtypeStruct((1, D), jnp.float32),
    ],
)


def _tc2_body(o3, s_ref, ss_ref, g_ref, b_ref, out):
    inv = 1.0 / float(R * N)
    mean = s_ref[...] * inv
    var = ss_ref[...] * inv - mean * mean
    scale = g_ref[...] * lax.rsqrt(var + BN_EPS)
    shift = b_ref[...] - mean * scale
    for r in range(R):
        out[r] = o3[r] * scale + shift


_tc2 = pl.pallas_call(
    _tc2_body,
    grid=(NBLK,),
    in_specs=[
        pl.BlockSpec((R, BLK, D), lambda i: (0, i, 0)),
        pl.BlockSpec((1, D), lambda i: (0, 0)),
        pl.BlockSpec((1, D), lambda i: (0, 0)),
        pl.BlockSpec((1, D), lambda i: (0, 0)),
        pl.BlockSpec((1, D), lambda i: (0, 0)),
    ],
    out_specs=pl.BlockSpec((R, BLK, D), lambda i: (0, i, 0)),
    out_shape=jax.ShapeDtypeStruct((R, N, D), jnp.float32),
)


def kernel(vfts, adjs, rels, W1a, b1a, W2a, b2a, W1b, b1b, W2b, b2b, gamma, beta):
    src = adjs[0]
    dst = adjs[1]
    pad = E_PAD - E
    sidx = rels * N + dst
    sidx_p = jnp.concatenate([sidx, jnp.full((pad,), DUMMY, jnp.int32)])
    src_p = jnp.concatenate([src, jnp.zeros((pad,), jnp.int32)])
    base = src_p * NQ
    off = jnp.array([0, 2, 1, 3], jnp.int32)
    gidx = (base[None, :] + off[:, None]).reshape(NC * 2 * NS, CHUNKS, CH)
    sidx_slab = sidx_p.reshape(NS, CHUNKS, CH)
    vq = vfts.reshape(N * NQ, DQ)

    agg = _sc_agg(gidx, sidx_slab, vq)
    agg3 = agg.reshape(R, N, D)

    o3, s, ss = _tc1(
        vfts, agg3, W1a.T, W2a.T, W1b.T, W2b.T,
        b1a.reshape(1, D), b2a.reshape(1, D),
        b1b.reshape(1, D), b2b.reshape(1, D),
    )
    out3 = _tc2(o3, s, ss, gamma.reshape(1, D), beta.reshape(1, D))
    return jnp.transpose(out3, (1, 0, 2))

# --- scband reference (transcript-rebuilt; emitter-appended) ---
"""Pipeline reference for scband-dssconv-excl-3736621547803 (READ-ONLY COPY).

The authoritative reference and input builder live on the scoring server;
editing this copy changes nothing except your own understanding.
"""

import jax, jax.numpy as jnp
import numpy as np

N = 10000
E = 320000
D = 128
R = 3


def _glorot(key, fanin, fanout):
    limit = jnp.sqrt(6.0 / (fanin + fanout))
    return jax.random.uniform(key, (fanout, fanin), jnp.float32, -limit, limit)


def setup_inputs(seed: int = 0) -> dict:
    key = jax.random.key(seed)
    ks = jax.random.split(key, 9)
    vfts = jax.random.normal(ks[0], (N, D), jnp.float32)
    adjs = jax.random.randint(ks[1], (2, E), 0, N, dtype=jnp.int32)
    rels = jax.random.randint(ks[2], (E,), 0, R, dtype=jnp.int32)
    # GIN conv1 MLP: Linear(D->D) -> ReLU -> Linear(D->D)
    W1a = _glorot(ks[3], D, D)
    b1a = jnp.zeros((D,), jnp.float32)
    W2a = _glorot(ks[4], D, D)
    b2a = jnp.zeros((D,), jnp.float32)
    # GIN conv2 MLP
    W1b = _glorot(ks[5], D, D)
    b1b = jnp.zeros((D,), jnp.float32)
    W2b = _glorot(ks[6], D, D)
    b2b = jnp.zeros((D,), jnp.float32)
    # BatchNorm1d affine params
    gamma = jnp.ones((D,), jnp.float32)
    beta = jnp.zeros((D,), jnp.float32)
    return {"vfts": vfts, "adjs": adjs, "rels": rels,
            "W1a": W1a, "b1a": b1a, "W2a": W2a, "b2a": b2a,
            "W1b": W1b, "b1b": b1b, "W2b": W2b, "b2b": b2b,
            "gamma": gamma, "beta": beta}


def _gin(x, agg, W1, b1, W2, b2):
    # train_eps=False -> eps=0: nn((1+0)*x + sum_neighbors)
    h = x + agg
    h = jnp.maximum(h @ W1.T + b1, 0.0)  # ReLU activation
    h = h @ W2.T + b2
    return h


def reference(vfts, adjs, rels, W1a, b1a, W2a, b2a, W1b, b1b, W2b, b2b, gamma, beta):
    src = adjs[0]
    dst = adjs[1]
    outs = []
    for r in range(R):
        mask_r = (rels == r).astype(vfts.dtype)[:, None]
        xs = vfts[src]
        # edges with relation r (conv1) and edges with all other relations (conv2)
        agg_r = jnp.zeros_like(vfts).at[dst].add(xs * mask_r)
        agg_nr = jnp.zeros_like(vfts).at[dst].add(xs * (1.0 - mask_r))
        v1 = _gin(vfts, agg_r, W1a, b1a, W2a, b2a)
        v2 = _gin(vfts, agg_nr, W1b, b1b, W2b, b2b)
        outs.append(v1 + v2)
    vrps = jnp.stack(outs, axis=1)  # [N, R, D]
    flat = vrps.reshape(N * R, D)
    # BatchNorm1d in training mode: biased batch stats, eps=1e-5
    mean = jnp.mean(flat, axis=0)
    var = jnp.var(flat, axis=0)
    flat = (flat - mean) / jnp.sqrt(var + 1e-5) * gamma + beta
    return flat.reshape(N, R, D)

if __name__ == "__main__":
    import jax
    _d = setup_inputs()
    print(jax.jit(kernel)(*tuple(_d.values())))

</pallas_src>

<mosaic_0001>
#map = affine_map<(d0, d1) -> (0, 0, 0)>
#map1 = affine_map<(d0, d1) -> (0, 0)>
module attributes {stable_mosaic.version = 14 : i64} {
  func.func @_sc_agg(%arg0: i32, %arg1: i32, %arg2: memref<64x158x128xi32, #tpu.memory_space<hbm>>, %arg3: memref<16x158x128xi32, #tpu.memory_space<hbm>>, %arg4: memref<40000x32xf32, #tpu.memory_space<hbm>>, %arg5: memref<30000x128xf32, #tpu.memory_space<hbm>>, %arg6: memref<158x128xi32, #tpu.memory_space<vmem>>, %arg7: memref<158x128xi32, #tpu.memory_space<vmem>>, %arg8: memref<128x32xf32, #tpu.memory_space<vmem>>, %arg9: memref<128x32xf32, #tpu.memory_space<vmem>>, %arg10: memref<480x32xf32, #tpu.memory_space<vmem>>, %arg11: memref<30720x32xf32, #tpu.memory_space<vmem_shared>>, %arg12: memref<!tpu.dma_semaphore, #tpu.memory_space<semaphore_mem>>, %arg13: memref<!tpu.dma_semaphore, #tpu.memory_space<semaphore_mem>>, %arg14: memref<!tpu.dma_semaphore, #tpu.memory_space<semaphore_mem>>) attributes {dimension_semantics = [#tpu.dimension_semantics<core_parallel>, #tpu.dimension_semantics<subcore_parallel>], iteration_bounds = array<i64: 2, 16>, scalar_prefetch = 0 : i64, scratch_operands = 9 : i64, tpu.core_type = #tpu.core_type<sc_vector_subcore>, window_params = [{transform_indices = #map}, {transform_indices = #map}, {transform_indices = #map1}, {transform_indices = #map1}]} {
    %dma_start3A = arith.constant 0 : i32
    %dma_start3A_0 = arith.constant 0 : i32
    %dma_start3A_1 = tpu.memref_slice %arg3[%arg1, %dma_start3A, %dma_start3A_0] : memref<16x158x128xi32, #tpu.memory_space<hbm>> -> memref<1x158x128xi32, #tpu.memory_space<hbm>>
    %dma_start3A_2 = tpu.memref_squeeze %dma_start3A_1 : memref<1x158x128xi32, #tpu.memory_space<hbm>> -> memref<158x128xi32, #tpu.memory_space<hbm>>
    %dma_start3A_3 = arith.constant 0 : i32
    %dma_start3A_4 = arith.constant 0 : i32
    %dma_start3A_5 = tpu.memref_slice %arg3[%arg1, %dma_start3A_3, %dma_start3A_4] : memref<16x158x128xi32, #tpu.memory_space<hbm>> -> memref<1x158x128xi32, #tpu.memory_space<hbm>>
    %dma_start3A_6 = tpu.memref_squeeze %dma_start3A_5 : memref<1x158x128xi32, #tpu.memory_space<hbm>> -> memref<158x128xi32, #tpu.memory_space<hbm>>
    tpu.enqueue_dma source(%dma_start3A_6 : memref<158x128xi32, #tpu.memory_space<hbm>>) target(%arg7 : memref<158x128xi32, #tpu.memory_space<vmem>>) target_semaphore(%arg12 : memref<!tpu.dma_semaphore, #tpu.memory_space<semaphore_mem>>)
    %broadcast_in_dim3A = arith.constant 0.000000e+00 : f32
    %broadcast_in_dim3A_7 = vector.broadcast %broadcast_in_dim3A : f32 to vector<16xf32>
    %scan3A = arith.constant 0 : i32
    %scan3A_8 = arith.constant 480 : i32
    %scan3A_9 = arith.addi %scan3A, %scan3A_8 : i32
    %scan3A_10 = arith.constant 1 : i32
    scf.for %scan3A_118 = %scan3A to %scan3A_9 step %scan3A_10  : i32 {
      %mul3A_119 = arith.constant 1 : i32
      %mul3A_120 = arith.muli %scan3A_118, %mul3A_119 : i32
      %add3A_121 = arith.constant 0 : i32
      %add3A_122 = arith.addi %add3A_121, %mul3A_120 : i32
      %swap3A = arith.index_cast %add3A_122 : i32 to index
      %swap3A_123 = arith.constant 0 : index
      %swap3A_124 = tpu.vector_load %arg10[%swap3A, %swap3A_123] {strides = array<i32>} : memref<480x32xf32, #tpu.memory_space<vmem>>, vector<1x16xf32>,
      %swap3A_125 = vector.shape_cast %swap3A_124 : vector<1x16xf32> to vector<16xf32>
      %swap3A_126 = vector.shape_cast %broadcast_in_dim3A_7 : vector<16xf32> to vector<1x16xf32>
      tpu.vector_store %arg10[%swap3A, %swap3A_123], %swap3A_126 {strides = array<i32>} : memref<480x32xf32, #tpu.memory_space<vmem>>, vector<1x16xf32>,
      %swap3A_127 = arith.index_cast %add3A_122 : i32 to index
      %swap3A_128 = arith.constant 16 : index
      %swap3A_129 = tpu.vector_load %arg10[%swap3A_127, %swap3A_128] {strides = array<i32>} : memref<480x32xf32, #tpu.memory_space<vmem>>, vector<1x16xf32>,
      %swap3A_130 = vector.shape_cast %swap3A_129 : vector<1x16xf32> to vector<16xf32>
      %swap3A_131 = vector.shape_cast %broadcast_in_dim3A_7 : vector<16xf32> to vector<1x16xf32>
      tpu.vector_store %arg10[%swap3A_127, %swap3A_128], %swap3A_131 {strides = array<i32>} : memref<480x32xf32, #tpu.memory_space<vmem>>, vector<1x16xf32>,
    }
    %scan3A_11 = arith.constant 480 : i32
    %dma_wait3A = arith.constant 0 : i32
    %dma_wait3A_12 = arith.constant 0 : i32
    %dma_wait3A_13 = tpu.memref_slice %arg3[%arg1, %dma_wait3A, %dma_wait3A_12] : memref<16x158x128xi32, #tpu.memory_space<hbm>> -> memref<1x158x128xi32, #tpu.memory_space<hbm>>
    %dma_wait3A_14 = tpu.memref_squeeze %dma_wait3A_13 : memref<1x158x128xi32, #tpu.memory_space<hbm>> -> memref<158x128xi32, #tpu.memory_space<hbm>>
    %dma_wait3A_15 = arith.constant 0 : i32
    %dma_wait3A_16 = arith.constant 0 : i32
    %dma_wait3A_17 = tpu.memref_slice %arg3[%arg1, %dma_wait3A_15, %dma_wait3A_16] : memref<16x158x128xi32, #tpu.memory_space<hbm>> -> memref<1x158x128xi32, #tpu.memory_space<hbm>>
    %dma_wait3A_18 = tpu.memref_squeeze %dma_wait3A_17 : memref<1x158x128xi32, #tpu.memory_space<hbm>> -> memref<158x128xi32, #tpu.memory_space<hbm>>
    tpu.wait_dma2 semaphore(%arg12 : memref<!tpu.dma_semaphore, #tpu.memory_space<semaphore_mem>>) src(%dma_wait3A_18 : memref<158x128xi32, #tpu.memory_space<hbm>>) dst(%arg7 : memref<158x128xi32, #tpu.memory_space<vmem>>)
    %add3A = arith.constant 0 : i32
    %add3A_19 = arith.addi %arg0, %add3A : i32
    %mul3A = arith.constant 2 : i32
    %mul3A_20 = arith.muli %arg0, %mul3A : i32
    %add3A_21 = arith.constant 0 : i32
    %add3A_22 = arith.addi %mul3A_20, %add3A_21 : i32
    %mul3A_23 = arith.constant 16 : i32
    %mul3A_24 = arith.muli %add3A_22, %mul3A_23 : i32
    %add3A_25 = arith.addi %mul3A_24, %arg1 : i32
    "tpu.region"() ({
      %run_scoped3A = tpu.sem_alloc : memref<!tpu.dma_semaphore, #tpu.memory_space<semaphore_mem>>
      %dma_start3A_118 = arith.constant 0 : i32
      %dma_start3A_119 = arith.constant 0 : i32
      %dma_start3A_120 = tpu.memref_slice %arg2[%add3A_25, %dma_start3A_118, %dma_start3A_119] : memref<64x158x128xi32, #tpu.memory_space<hbm>> -> memref<1x158x128xi32, #tpu.memory_space<hbm>>
      %dma_start3A_121 = tpu.memref_squeeze %dma_start3A_120 : memref<1x158x128xi32, #tpu.memory_space<hbm>> -> memref<158x128xi32, #tpu.memory_space<hbm>>
      %dma_start3A_122 = arith.constant 0 : i32
      %dma_start3A_123 = arith.constant 0 : i32
      %dma_start3A_124 = tpu.memref_slice %arg2[%add3A_25, %dma_start3A_122, %dma_start3A_123] : memref<64x158x128xi32, #tpu.memory_space<hbm>> -> memref<1x158x128xi32, #tpu.memory_space<hbm>>
      %dma_start3A_125 = tpu.memref_squeeze %dma_start3A_124 : memref<1x158x128xi32, #tpu.memory_space<hbm>> -> memref<158x128xi32, #tpu.memory_space<hbm>>
      tpu.enqueue_dma source(%dma_start3A_125 : memref<158x128xi32, #tpu.memory_space<hbm>>) target(%arg6 : memref<158x128xi32, #tpu.memory_space<vmem>>) target_semaphore(%run_scoped3A : memref<!tpu.dma_semaphore, #tpu.memory_space<semaphore_mem>>)
      %dma_wait3A_126 = arith.constant 0 : i32
      %dma_wait3A_127 = arith.constant 0 : i32
      %dma_wait3A_128 = tpu.memref_slice %arg2[%add3A_25, %dma_wait3A_126, %dma_wait3A_127] : memref<64x158x128xi32, #tpu.memory_space<hbm>> -> memref<1x158x128xi32, #tpu.memory_space<hbm>>
      %dma_wait3A_129 = tpu.memref_squeeze %dma_wait3A_128 : memref<1x158x128xi32, #tpu.memory_space<hbm>> -> memref<158x128xi32, #tpu.memory_space<hbm>>
      %dma_wait3A_130 = arith.constant 0 : i32
      %dma_wait3A_131 = arith.constant 0 : i32
      %dma_wait3A_132 = tpu.memref_slice %arg2[%add3A_25, %dma_wait3A_130, %dma_wait3A_131] : memref<64x158x128xi32, #tpu.memory_space<hbm>> -> memref<1x158x128xi32, #tpu.memory_space<hbm>>
      %dma_wait3A_133 = tpu.memref_squeeze %dma_wait3A_132 : memref<1x158x128xi32, #tpu.memory_space<hbm>> -> memref<158x128xi32, #tpu.memory_space<hbm>>
      tpu.wait_dma2 semaphore(%run_scoped3A : memref<!tpu.dma_semaphore, #tpu.memory_space<semaphore_mem>>) src(%dma_wait3A_133 : memref<158x128xi32, #tpu.memory_space<hbm>>) dst(%arg6 : memref<158x128xi32, #tpu.memory_space<vmem>>)
      tpu.yield
    }) : () -> ()
    %dma_start3A_26 = arith.constant 0 : i32
    %dma_start3A_27 = arith.constant 0 : i32
    %dma_start3A_28 = tpu.memref_slice %arg6[%dma_start3A_26, %dma_start3A_27] : memref<158x128xi32, #tpu.memory_space<vmem>> -> memref<1x128xi32, #tpu.memory_space<vmem>>
    %dma_start3A_29 = tpu.memref_squeeze %dma_start3A_28 : memref<1x128xi32, #tpu.memory_space<vmem>> -> memref<128xi32, #tpu.memory_space<vmem>>
    %dma_start3A_30 = arith.constant 0 : i32
    %dma_start3A_31 = arith.constant 0 : i32
    %dma_start3A_32 = tpu.memref_slice %arg4[%dma_start3A_30, %dma_start3A_31] : memref<40000x32xf32, #tpu.memory_space<hbm>> -> memref<40000x32xf32, #tpu.memory_space<hbm>>
    tpu.enqueue_indirect_dma source(%dma_start3A_32 : memref<40000x32xf32, #tpu.memory_space<hbm>>) target(%arg8 : memref<128x32xf32, #tpu.memory_space<vmem>>) offsets(%dma_start3A_29 : memref<128xi32, #tpu.memory_space<vmem>>) semaphore(%arg13 : memref<!tpu.dma_semaphore, #tpu.memory_space<semaphore_mem>>)
    %dma_start3A_33 = arith.constant 1 : i32
    %dma_start3A_34 = arith.constant 0 : i32
    %dma_start3A_35 = tpu.memref_slice %arg6[%dma_start3A_33, %dma_start3A_34] : memref<158x128xi32, #tpu.memory_space<vmem>> -> memref<1x128xi32, #tpu.memory_space<vmem>>
    %dma_start3A_36 = tpu.memref_squeeze %dma_start3A_35 : memref<1x128xi32, #tpu.memory_space<vmem>> -> memref<128xi32, #tpu.memory_space<vmem>>
    %dma_start3A_37 = arith.constant 0 : i32
    %dma_start3A_38 = arith.constant 0 : i32
    %dma_start3A_39 = tpu.memref_slice %arg4[%dma_start3A_37, %dma_start3A_38] : memref<40000x32xf32, #tpu.memory_space<hbm>> -> memref<40000x32xf32, #tpu.memory_space<hbm>>
    tpu.enqueue_indirect_dma source(%dma_start3A_39 : memref<40000x32xf32, #tpu.memory_space<hbm>>) target(%arg9 : memref<128x32xf32, #tpu.memory_space<vmem>>) offsets(%dma_start3A_36 : memref<128xi32, #tpu.memory_space<vmem>>) semaphore(%arg14 : memref<!tpu.dma_semaphore, #tpu.memory_space<semaphore_mem>>)
    %mul3A_40 = arith.constant 1920 : i32
    %mul3A_41 = arith.muli %arg1, %mul3A_40 : i32
    %add3A_42 = arith.constant 0 : i32
    %add3A_43 = arith.addi %mul3A_41, %add3A_42 : i32
    "tpu.region"() ({
      %run_scoped3A = tpu.sem_alloc : memref<!tpu.dma_semaphore, #tpu.memory_space<semaphore_mem>>
      %dma_start3A_118 = arith.constant 0 : i32
      %dma_start3A_119 = tpu.memref_slice %arg11[%add3A_43, %dma_start3A_118] : memref<30720x32xf32, #tpu.memory_space<vmem_shared>> -> memref<480x32xf32, #tpu.memory_space<vmem_shared>>
      %dma_start3A_120 = arith.constant 0 : i32
      %dma_start3A_121 = tpu.memref_slice %arg11[%add3A_43, %dma_start3A_120] : memref<30720x32xf32, #tpu.memory_space<vmem_shared>> -> memref<480x32xf32, #tpu.memory_space<vmem_shared>>
      tpu.enqueue_dma source(%arg10 : memref<480x32xf32, #tpu.memory_space<vmem>>) target(%dma_start3A_121 : memref<480x32xf32, #tpu.memory_space<vmem_shared>>) target_semaphore(%run_scoped3A : memref<!tpu.dma_semaphore, #tpu.memory_space<semaphore_mem>>)
      %dma_wait3A_122 = arith.constant 0 : i32
      %dma_wait3A_123 = tpu.memref_slice %arg11[%add3A_43, %dma_wait3A_122] : memref<30720x32xf32, #tpu.memory_space<vmem_shared>> -> memref<480x32xf32, #tpu.memory_space<vmem_shared>>
      %dma_wait3A_124 = arith.constant 0 : i32
      %dma_wait3A_125 = tpu.memref_slice %arg11[%add3A_43, %dma_wait3A_124] : memref<30720x32xf32, #tpu.memory_space<vmem_shared>> -> memref<480x32xf32, #tpu.memory_space<vmem_shared>>
      tpu.wait_dma2 semaphore(%run_scoped3A : memref<!tpu.dma_semaphore, #tpu.memory_space<semaphore_mem>>) src(%arg10 : memref<480x32xf32, #tpu.memory_space<vmem>>) dst(%dma_wait3A_125 : memref<480x32xf32, #tpu.memory_space<vmem_shared>>)
      tpu.yield
    }) : () -> ()
    %add3A_44 = arith.constant 480 : i32
    %add3A_45 = arith.addi %mul3A_41, %add3A_44 : i32
    "tpu.region"() ({
      %run_scoped3A = tpu.sem_alloc : memref<!tpu.dma_semaphore, #tpu.memory_space<semaphore_mem>>
      %dma_start3A_118 = arith.constant 0 : i32
      %dma_start3A_119 = tpu.memref_slice %arg11[%add3A_45, %dma_start3A_118] : memref<30720x32xf32, #tpu.memory_space<vmem_shared>> -> memref<480x32xf32, #tpu.memory_space<vmem_shared>>
      %dma_start3A_120 = arith.constant 0 : i32
      %dma_start3A_121 = tpu.memref_slice %arg11[%add3A_45, %dma_start3A_120] : memref<30720x32xf32, #tpu.memory_space<vmem_shared>> -> memref<480x32xf32, #tpu.memory_space<vmem_shared>>
      tpu.enqueue_dma source(%arg10 : memref<480x32xf32, #tpu.memory_space<vmem>>) target(%dma_start3A_121 : memref<480x32xf32, #tpu.memory_space<vmem_shared>>) target_semaphore(%run_scoped3A : memref<!tpu.dma_semaphore, #tpu.memory_space<semaphore_mem>>)
      %dma_wait3A_122 = arith.constant 0 : i32
      %dma_wait3A_123 = tpu.memref_slice %arg11[%add3A_45, %dma_wait3A_122] : memref<30720x32xf32, #tpu.memory_space<vmem_shared>> -> memref<480x32xf32, #tpu.memory_space<vmem_shared>>
      %dma_wait3A_124 = arith.constant 0 : i32
      %dma_wait3A_125 = tpu.memref_slice %arg11[%add3A_45, %dma_wait3A_124] : memref<30720x32xf32, #tpu.memory_space<vmem_shared>> -> memref<480x32xf32, #tpu.memory_space<vmem_shared>>
      tpu.wait_dma2 semaphore(%run_scoped3A : memref<!tpu.dma_semaphore, #tpu.memory_space<semaphore_mem>>) src(%arg10 : memref<480x32xf32, #tpu.memory_space<vmem>>) dst(%dma_wait3A_125 : memref<480x32xf32, #tpu.memory_space<vmem_shared>>)
      tpu.yield
    }) : () -> ()
    %add3A_46 = arith.constant 960 : i32
    %add3A_47 = arith.addi %mul3A_41, %add3A_46 : i32
    "tpu.region"() ({
      %run_scoped3A = tpu.sem_alloc : memref<!tpu.dma_semaphore, #tpu.memory_space<semaphore_mem>>
      %dma_start3A_118 = arith.constant 0 : i32
      %dma_start3A_119 = tpu.memref_slice %arg11[%add3A_47, %dma_start3A_118] : memref<30720x32xf32, #tpu.memory_space<vmem_shared>> -> memref<480x32xf32, #tpu.memory_space<vmem_shared>>
      %dma_start3A_120 = arith.constant 0 : i32
      %dma_start3A_121 = tpu.memref_slice %arg11[%add3A_47, %dma_start3A_120] : memref<30720x32xf32, #tpu.memory_space<vmem_shared>> -> memref<480x32xf32, #tpu.memory_space<vmem_shared>>
      tpu.enqueue_dma source(%arg10 : memref<480x32xf32, #tpu.memory_space<vmem>>) target(%dma_start3A_121 : memref<480x32xf32, #tpu.memory_space<vmem_shared>>) target_semaphore(%run_scoped3A : memref<!tpu.dma_semaphore, #tpu.memory_space<semaphore_mem>>)
      %dma_wait3A_122 = arith.constant 0 : i32
      %dma_wait3A_123 = tpu.memref_slice %arg11[%add3A_47, %dma_wait3A_122] : memref<30720x32xf32, #tpu.memory_space<vmem_shared>> -> memref<480x32xf32, #tpu.memory_space<vmem_shared>>
      %dma_wait3A_124 = arith.constant 0 : i32
      %dma_wait3A_125 = tpu.memref_slice %arg11[%add3A_47, %dma_wait3A_124] : memref<30720x32xf32, #tpu.memory_space<vmem_shared>> -> memref<480x32xf32, #tpu.memory_space<vmem_shared>>
      tpu.wait_dma2 semaphore(%run_scoped3A : memref<!tpu.dma_semaphore, #tpu.memory_space<semaphore_mem>>) src(%arg10 : memref<480x32xf32, #tpu.memory_space<vmem>>) dst(%dma_wait3A_125 : memref<480x32xf32, #tpu.memory_space<vmem_shared>>)
      tpu.yield
    }) : () -> ()
    %add3A_48 = arith.constant 1440 : i32
    %add3A_49 = arith.addi %mul3A_41, %add3A_48 : i32
    "tpu.region"() ({
      %run_scoped3A = tpu.sem_alloc : memref<!tpu.dma_semaphore, #tpu.memory_space<semaphore_mem>>
      %dma_start3A_118 = arith.constant 0 : i32
      %dma_start3A_119 = tpu.memref_slice %arg11[%add3A_49, %dma_start3A_118] : memref<30720x32xf32, #tpu.memory_space<vmem_shared>> -> memref<480x32xf32, #tpu.memory_space<vmem_shared>>
      %dma_start3A_120 = arith.constant 0 : i32
      %dma_start3A_121 = tpu.memref_slice %arg11[%add3A_49, %dma_start3A_120] : memref<30720x32xf32, #tpu.memory_space<vmem_shared>> -> memref<480x32xf32, #tpu.memory_space<vmem_shared>>
      tpu.enqueue_dma source(%arg10 : memref<480x32xf32, #tpu.memory_space<vmem>>) target(%dma_start3A_121 : memref<480x32xf32, #tpu.memory_space<vmem_shared>>) target_semaphore(%run_scoped3A : memref<!tpu.dma_semaphore, #tpu.memory_space<semaphore_mem>>)
      %dma_wait3A_122 = arith.constant 0 : i32
      %dma_wait3A_123 = tpu.memref_slice %arg11[%add3A_49, %dma_wait3A_122] : memref<30720x32xf32, #tpu.memory_space<vmem_shared>> -> memref<480x32xf32, #tpu.memory_space<vmem_shared>>
      %dma_wait3A_124 = arith.constant 0 : i32
      %dma_wait3A_125 = tpu.memref_slice %arg11[%add3A_49, %dma_wait3A_124] : memref<30720x32xf32, #tpu.memory_space<vmem_shared>> -> memref<480x32xf32, #tpu.memory_space<vmem_shared>>
      tpu.wait_dma2 semaphore(%run_scoped3A : memref<!tpu.dma_semaphore, #tpu.memory_space<semaphore_mem>>) src(%arg10 : memref<480x32xf32, #tpu.memory_space<vmem>>) dst(%dma_wait3A_125 : memref<480x32xf32, #tpu.memory_space<vmem_shared>>)
      tpu.yield
    }) : () -> ()
    %barrier3A = arith.constant 0 : index
    tpu.barrier barrier_id(%barrier3A)
    %scan3A_50 = arith.constant 0 : i32
    %scan3A_51 = arith.constant 79 : i32
    %scan3A_52 = arith.addi %scan3A_50, %scan3A_51 : i32
    %scan3A_53 = arith.constant 1 : i32
    scf.for %scan3A_118 = %scan3A_50 to %scan3A_52 step %scan3A_53  : i32 {
      %mul3A_119 = arith.constant 1 : i32
      %mul3A_120 = arith.muli %scan3A_118, %mul3A_119 : i32
      %add3A_121 = arith.constant 0 : i32
      %add3A_122 = arith.addi %add3A_121, %mul3A_120 : i32
      %mul3A_123 = arith.constant 2 : i32
      %mul3A_124 = arith.muli %mul3A_123, %add3A_122 : i32
      %add3A_125 = arith.constant 0 : i32
      %add3A_126 = arith.addi %mul3A_124, %add3A_125 : i32
      %dma_wait3A_127 = arith.constant 0 : i32
      %dma_wait3A_128 = tpu.memref_slice %arg6[%add3A_126, %dma_wait3A_127] : memref<158x128xi32, #tpu.memory_space<vmem>> -> memref<1x128xi32, #tpu.memory_space<vmem>>
      %dma_wait3A_129 = tpu.memref_squeeze %dma_wait3A_128 : memref<1x128xi32, #tpu.memory_space<vmem>> -> memref<128xi32, #tpu.memory_space<vmem>>
      %dma_wait3A_130 = arith.constant 0 : i32
      %dma_wait3A_131 = arith.constant 0 : i32
      %dma_wait3A_132 = tpu.memref_slice %arg4[%dma_wait3A_130, %dma_wait3A_131] : memref<40000x32xf32, #tpu.memory_space<hbm>> -> memref<40000x32xf32, #tpu.memory_space<hbm>>
      tpu.wait_indirect_dma semaphore(%arg13 : memref<!tpu.dma_semaphore, #tpu.memory_space<semaphore_mem>>) src(%dma_wait3A_132 : memref<40000x32xf32, #tpu.memory_space<hbm>>) dst(%arg8 : memref<128x32xf32, #tpu.memory_space<vmem>>)
      %add3A_133 = arith.constant 0 : i32
      %add3A_134 = arith.addi %mul3A_124, %add3A_133 : i32
      "tpu.region"() ({
        %run_scoped3A = tpu.sem_alloc : memref<!tpu.dma_semaphore, #tpu.memory_space<semaphore_mem>>
        %dma_start3A_155 = arith.constant 0 : i32
        %dma_start3A_156 = tpu.memref_slice %arg7[%add3A_134, %dma_start3A_155] : memref<158x128xi32, #tpu.memory_space<vmem>> -> memref<1x128xi32, #tpu.memory_space<vmem>>
        %dma_start3A_157 = tpu.memref_squeeze %dma_start3A_156 : memref<1x128xi32, #tpu.memory_space<vmem>> -> memref<128xi32, #tpu.memory_space<vmem>>
        %dma_start3A_158 = arith.constant 0 : i32
        %dma_start3A_159 = arith.constant 0 : i32
        %dma_start3A_160 = tpu.memref_slice %arg11[%dma_start3A_158, %dma_start3A_159] : memref<30720x32xf32, #tpu.memory_space<vmem_shared>> -> memref<30720x32xf32, #tpu.memory_space<vmem_shared>>
        tpu.enqueue_indirect_dma source(%arg8 : memref<128x32xf32, #tpu.memory_space<vmem>>) target(%dma_start3A_160 : memref<30720x32xf32, #tpu.memory_space<vmem_shared>>) offsets(%dma_start3A_157 : memref<128xi32, #tpu.memory_space<vmem>>) semaphore(%run_scoped3A : memref<!tpu.dma_semaphore, #tpu.memory_space<semaphore_mem>>) {add = true}
        %dma_wait3A_161 = arith.constant 0 : i32
        %dma_wait3A_162 = tpu.memref_slice %arg7[%add3A_134, %dma_wait3A_161] : memref<158x128xi32, #tpu.memory_space<vmem>> -> memref<1x128xi32, #tpu.memory_space<vmem>>
        %dma_wait3A_163 = tpu.memref_squeeze %dma_wait3A_162 : memref<1x128xi32, #tpu.memory_space<vmem>> -> memref<128xi32, #tpu.memory_space<vmem>>
        %dma_wait3A_164 = arith.constant 0 : i32
        %dma_wait3A_165 = arith.constant 0 : i32
        %dma_wait3A_166 = tpu.memref_slice %arg11[%dma_wait3A_164, %dma_wait3A_165] : memref<30720x32xf32, #tpu.memory_space<vmem_shared>> -> memref<30720x32xf32, #tpu.memory_space<vmem_shared>>
        tpu.wait_indirect_dma semaphore(%run_scoped3A : memref<!tpu.dma_semaphore, #tpu.memory_space<semaphore_mem>>) src(%arg8 : memref<128x32xf32, #tpu.memory_space<vmem>>) dst(%dma_wait3A_166 : memref<30720x32xf32, #tpu.memory_space<vmem_shared>>)
        tpu.yield
      }) : () -> ()
      %lt3A_135 = arith.constant 78 : i32
      %lt3A_136 = arith.cmpi slt, %add3A_122, %lt3A_135 : i32
      %convert_element_type3A_137 = arith.extui %lt3A_136 : i1 to i32
      %cond3A_138 = arith.constant 0 : i32
      %cond3A_139 = arith.cmpi ne, %convert_element_type3A_137, %cond3A_138 : i32
      scf.if %cond3A_139 {
        %add3A_155 = arith.constant 0 : i32
        %add3A_156 = arith.addi %mul3A_124, %add3A_155 : i32
        %add3A_157 = arith.constant 2 : i32
        %add3A_158 = arith.addi %add3A_156, %add3A_157 : i32
        %dma_start3A_159 = arith.constant 0 : i32
        %dma_start3A_160 = tpu.memref_slice %arg6[%add3A_158, %dma_start3A_159] : memref<158x128xi32, #tpu.memory_space<vmem>> -> memref<1x128xi32, #tpu.memory_space<vmem>>
        %dma_start3A_161 = tpu.memref_squeeze %dma_start3A_160 : memref<1x128xi32, #tpu.memory_space<vmem>> -> memref<128xi32, #tpu.memory_space<vmem>>
        %dma_start3A_162 = arith.constant 0 : i32
        %dma_start3A_163 = arith.constant 0 : i32
        %dma_start3A_164 = tpu.memref_slice %arg4[%dma_start3A_162, %dma_start3A_163] : memref<40000x32xf32, #tpu.memory_space<hbm>> -> memref<40000x32xf32, #tpu.memory_space<hbm>>
        tpu.enqueue_indirect_dma source(%dma_start3A_164 : memref<40000x32xf32, #tpu.memory_space<hbm>>) target(%arg8 : memref<128x32xf32, #tpu.memory_space<vmem>>) offsets(%dma_start3A_161 : memref<128xi32, #tpu.memory_space<vmem>>) semaphore(%arg13 : memref<!tpu.dma_semaphore, #tpu.memory_space<semaphore_mem>>)
      } else {
      }
      %add3A_140 = arith.constant 1 : i32
      %add3A_141 = arith.addi %mul3A_124, %add3A_140 : i32
      %dma_wait3A_142 = arith.constant 0 : i32
      %dma_wait3A_143 = tpu.memref_slice %arg6[%add3A_141, %dma_wait3A_142] : memref<158x128xi32, #tpu.memory_space<vmem>> -> memref<1x128xi32, #tpu.memory_space<vmem>>
      %dma_wait3A_144 = tpu.memref_squeeze %dma_wait3A_143 : memref<1x128xi32, #tpu.memory_space<vmem>> -> memref<128xi32, #tpu.memory_space<vmem>>
      %dma_wait3A_145 = arith.constant 0 : i32
      %dma_wait3A_146 = arith.constant 0 : i32
      %dma_wait3A_147 = tpu.memref_slice %arg4[%dma_wait3A_145, %dma_wait3A_146] : memref<40000x32xf32, #tpu.memory_space<hbm>> -> memref<40000x32xf32, #tpu.memory_space<hbm>>
      tpu.wait_indirect_dma semaphore(%arg14 : memref<!tpu.dma_semaphore, #tpu.memory_space<semaphore_mem>>) src(%dma_wait3A_147 : memref<40000x32xf32, #tpu.memory_space<hbm>>) dst(%arg9 : memref<128x32xf32, #tpu.memory_space<vmem>>)
      %add3A_148 = arith.constant 1 : i32
      %add3A_149 = arith.addi %mul3A_124, %add3A_148 : i32
      "tpu.region"() ({
        %run_scoped3A = tpu.sem_alloc : memref<!tpu.dma_semaphore, #tpu.memory_space<semaphore_mem>>
        %dma_start3A_155 = arith.constant 0 : i32
        %dma_start3A_156 = tpu.memref_slice %arg7[%add3A_149, %dma_start3A_155] : memref<158x128xi32, #tpu.memory_space<vmem>> -> memref<1x128xi32, #tpu.memory_space<vmem>>
        %dma_start3A_157 = tpu.memref_squeeze %dma_start3A_156 : memref<1x128xi32, #tpu.memory_space<vmem>> -> memref<128xi32, #tpu.memory_space<vmem>>
        %dma_start3A_158 = arith.constant 0 : i32
        %dma_start3A_159 = arith.constant 0 : i32
        %dma_start3A_160 = tpu.memref_slice %arg11[%dma_start3A_158, %dma_start3A_159] : memref<30720x32xf32, #tpu.memory_space<vmem_shared>> -> memref<30720x32xf32, #tpu.memory_space<vmem_shared>>
        tpu.enqueue_indirect_dma source(%arg9 : memref<128x32xf32, #tpu.memory_space<vmem>>) target(%dma_start3A_160 : memref<30720x32xf32, #tpu.memory_space<vmem_shared>>) offsets(%dma_start3A_157 : memref<128xi32, #tpu.memory_space<vmem>>) semaphore(%run_scoped3A : memref<!tpu.dma_semaphore, #tpu.memory_space<semaphore_mem>>) {add = true}
        %dma_wait3A_161 = arith.constant 0 : i32
        %dma_wait3A_162 = tpu.memref_slice %arg7[%add3A_149, %dma_wait3A_161] : memref<158x128xi32, #tpu.memory_space<vmem>> -> memref<1x128xi32, #tpu.memory_space<vmem>>
        %dma_wait3A_163 = tpu.memref_squeeze %dma_wait3A_162 : memref<1x128xi32, #tpu.memory_space<vmem>> -> memref<128xi32, #tpu.memory_space<vmem>>
        %dma_wait3A_164 = arith.constant 0 : i32
        %dma_wait3A_165 = arith.constant 0 : i32
        %dma_wait3A_166 = tpu.memref_slice %arg11[%dma_wait3A_164, %dma_wait3A_165] : memref<30720x32xf32, #tpu.memory_space<vmem_shared>> -> memref<30720x32xf32, #tpu.memory_space<vmem_shared>>
        tpu.wait_indirect_dma semaphore(%run_scoped3A : memref<!tpu.dma_semaphore, #tpu.memory_space<semaphore_mem>>) src(%arg9 : memref<128x32xf32, #tpu.memory_space<vmem>>) dst(%dma_wait3A_166 : memref<30720x32xf32, #tpu.memory_space<vmem_shared>>)
        tpu.yield
      }) : () -> ()
      %lt3A_150 = arith.constant 78 : i32
      %lt3A_151 = arith.cmpi slt, %add3A_122, %lt3A_150 : i32
      %convert_element_type3A_152 = arith.extui %lt3A_151 : i1 to i32
      %cond3A_153 = arith.constant 0 : i32
      %cond3A_154 = arith.cmpi ne, %convert_element_type3A_152, %cond3A_153 : i32
      scf.if %cond3A_154 {
        %add3A_155 = arith.constant 1 : i32
        %add3A_156 = arith.addi %mul3A_124, %add3A_155 : i32
        %add3A_157 = arith.constant 2 : i32
        %add3A_158 = arith.addi %add3A_156, %add3A_157 : i32
        %dma_start3A_159 = arith.constant 0 : i32
        %dma_start3A_160 = tpu.memref_slice %arg6[%add3A_158, %dma_start3A_159] : memref<158x128xi32, #tpu.memory_space<vmem>> -> memref<1x128xi32, #tpu.memory_space<vmem>>
        %dma_start3A_161 = tpu.memref_squeeze %dma_start3A_160 : memref<1x128xi32, #tpu.memory_space<vmem>> -> memref<128xi32, #tpu.memory_space<vmem>>
        %dma_start3A_162 = arith.constant 0 : i32
        %dma_start3A_163 = arith.constant 0 : i32
        %dma_start3A_164 = tpu.memref_slice %arg4[%dma_start3A_162, %dma_start3A_163] : memref<40000x32xf32, #tpu.memory_space<hbm>> -> memref<40000x32xf32, #tpu.memory_space<hbm>>
        tpu.enqueue_indirect_dma source(%dma_start3A_164 : memref<40000x32xf32, #tpu.memory_space<hbm>>) target(%arg9 : memref<128x32xf32, #tpu.memory_space<vmem>>) offsets(%dma_start3A_161 : memref<128xi32, #tpu.memory_space<vmem>>) semaphore(%arg14 : memref<!tpu.dma_semaphore, #tpu.memory_space<semaphore_mem>>)
      } else {
      }
    }
    %scan3A_54 = arith.constant 79 : i32
    %barrier3A_55 = arith.constant 0 : index
    tpu.barrier barrier_id(%barrier3A_55)
    %mul3A_56 = arith.constant 1880 : i32
    %mul3A_57 = arith.muli %arg1, %mul3A_56 : i32
    %lt3A = arith.constant 15 : i32
    %lt3A_58 = arith.cmpi slt, %arg1, %lt3A : i32
    %convert_element_type3A = arith.extui %lt3A_58 : i1 to i32
    %cond3A = arith.constant 0 : i32
    %cond3A_59 = arith.cmpi ne, %convert_element_type3A, %cond3A : i32
    scf.if %cond3A_59 {
      %mul3A_118 = arith.constant 32 : i32
      %mul3A_119 = arith.muli %add3A_19, %mul3A_118 : i32
      "tpu.region"() ({
        %run_scoped3A = tpu.sem_alloc : memref<!tpu.dma_semaphore, #tpu.memory_space<semaphore_mem>>
        %dma_start3A_120 = tpu.memref_slice %arg5[%mul3A_57, %mul3A_119] : memref<30000x128xf32, #tpu.memory_space<hbm>> -> memref<1880x32xf32, #tpu.memory_space<hbm>>
        %dma_start3A_121 = arith.constant 0 : i32
        %dma_start3A_122 = tpu.memref_slice %arg11[%mul3A_57, %dma_start3A_121] : memref<30720x32xf32, #tpu.memory_space<vmem_shared>> -> memref<1880x32xf32, #tpu.memory_space<vmem_shared>>
        tpu.enqueue_dma source(%dma_start3A_122 : memref<1880x32xf32, #tpu.memory_space<vmem_shared>>) target(%dma_start3A_120 : memref<1880x32xf32, #tpu.memory_space<hbm>>) target_semaphore(%run_scoped3A : memref<!tpu.dma_semaphore, #tpu.memory_space<semaphore_mem>>)
        %dma_wait3A_123 = tpu.memref_slice %arg5[%mul3A_57, %mul3A_119] : memref<30000x128xf32, #tpu.memory_space<hbm>> -> memref<1880x32xf32, #tpu.memory_space<hbm>>
        %dma_wait3A_124 = arith.constant 0 : i32
        %dma_wait3A_125 = tpu.memref_slice %arg11[%mul3A_57, %dma_wait3A_124] : memref<30720x32xf32, #tpu.memory_space<vmem_shared>> -> memref<1880x32xf32, #tpu.memory_space<vmem_shared>>
        tpu.wait_dma2 semaphore(%run_scoped3A : memref<!tpu.dma_semaphore, #tpu.memory_space<semaphore_mem>>) src(%dma_wait3A_125 : memref<1880x32xf32, #tpu.memory_space<vmem_shared>>) dst(%dma_wait3A_123 : memref<1880x32xf32, #tpu.memory_space<hbm>>)
        tpu.yield
      }) : () -> ()
    } else {
    }
    %eq3A = arith.constant 15 : i32
    %eq3A_60 = arith.cmpi eq, %arg1, %eq3A : i32
    %convert_element_type3A_61 = arith.extui %eq3A_60 : i1 to i32
    %cond3A_62 = arith.constant 0 : i32
    %cond3A_63 = arith.cmpi ne, %convert_element_type3A_61, %cond3A_62 : i32
    scf.if %cond3A_63 {
      %mul3A_118 = arith.constant 32 : i32
      %mul3A_119 = arith.muli %add3A_19, %mul3A_118 : i32
      "tpu.region"() ({
        %run_scoped3A = tpu.sem_alloc : memref<!tpu.dma_semaphore, #tpu.memory_space<semaphore_mem>>
        %dma_start3A_120 = tpu.memref_slice %arg5[%mul3A_57, %mul3A_119] : memref<30000x128xf32, #tpu.memory_space<hbm>> -> memref<1800x32xf32, #tpu.memory_space<hbm>>
        %dma_start3A_121 = arith.constant 0 : i32
        %dma_start3A_122 = tpu.memref_slice %arg11[%mul3A_57, %dma_start3A_121] : memref<30720x32xf32, #tpu.memory_space<vmem_shared>> -> memref<1800x32xf32, #tpu.memory_space<vmem_shared>>
        tpu.enqueue_dma source(%dma_start3A_122 : memref<1800x32xf32, #tpu.memory_space<vmem_shared>>) target(%dma_start3A_120 : memref<1800x32xf32, #tpu.memory_space<hbm>>) target_semaphore(%run_scoped3A : memref<!tpu.dma_semaphore, #tpu.memory_space<semaphore_mem>>)
        %dma_wait3A_123 = tpu.memref_slice %arg5[%mul3A_57, %mul3A_119] : memref<30000x128xf32, #tpu.memory_space<hbm>> -> memref<1800x32xf32, #tpu.memory_space<hbm>>
        %dma_wait3A_124 = arith.constant 0 : i32
        %dma_wait3A_125 = tpu.memref_slice %arg11[%mul3A_57, %dma_wait3A_124] : memref<30720x32xf32, #tpu.memory_space<vmem_shared>> -> memref<1800x32xf32, #tpu.memory_space<vmem_shared>>
        tpu.wait_dma2 semaphore(%run_scoped3A : memref<!tpu.dma_semaphore, #tpu.memory_space<semaphore_mem>>) src(%dma_wait3A_125 : memref<1800x32xf32, #tpu.memory_space<vmem_shared>>) dst(%dma_wait3A_123 : memref<1800x32xf32, #tpu.memory_space<hbm>>)
        tpu.yield
      }) : () -> ()
    } else {
    }
    %barrier3A_64 = arith.constant 0 : index
    tpu.barrier barrier_id(%barrier3A_64)
    %add3A_65 = arith.constant 2 : i32
    %add3A_66 = arith.addi %arg0, %add3A_65 : i32
    %mul3A_67 = arith.constant 2 : i32
    %mul3A_68 = arith.muli %arg0, %mul3A_67 : i32
    %add3A_69 = arith.constant 1 : i32
    %add3A_70 = arith.addi %mul3A_68, %add3A_69 : i32
    %mul3A_71 = arith.constant 16 : i32
    %mul3A_72 = arith.muli %add3A_70, %mul3A_71 : i32
    %add3A_73 = arith.addi %mul3A_72, %arg1 : i32
    "tpu.region"() ({
      %run_scoped3A = tpu.sem_alloc : memref<!tpu.dma_semaphore, #tpu.memory_space<semaphore_mem>>
      %dma_start3A_118 = arith.constant 0 : i32
      %dma_start3A_119 = arith.constant 0 : i32
      %dma_start3A_120 = tpu.memref_slice %arg2[%add3A_73, %dma_start3A_118, %dma_start3A_119] : memref<64x158x128xi32, #tpu.memory_space<hbm>> -> memref<1x158x128xi32, #tpu.memory_space<hbm>>
      %dma_start3A_121 = tpu.memref_squeeze %dma_start3A_120 : memref<1x158x128xi32, #tpu.memory_space<hbm>> -> memref<158x128xi32, #tpu.memory_space<hbm>>
      %dma_start3A_122 = arith.constant 0 : i32
      %dma_start3A_123 = arith.constant 0 : i32
      %dma_start3A_124 = tpu.memref_slice %arg2[%add3A_73, %dma_start3A_122, %dma_start3A_123] : memref<64x158x128xi32, #tpu.memory_space<hbm>> -> memref<1x158x128xi32, #tpu.memory_space<hbm>>
      %dma_start3A_125 = tpu.memref_squeeze %dma_start3A_124 : memref<1x158x128xi32, #tpu.memory_space<hbm>> -> memref<158x128xi32, #tpu.memory_space<hbm>>
      tpu.enqueue_dma source(%dma_start3A_125 : memref<158x128xi32, #tpu.memory_space<hbm>>) target(%arg6 : memref<158x128xi32, #tpu.memory_space<vmem>>) target_semaphore(%run_scoped3A : memref<!tpu.dma_semaphore, #tpu.memory_space<semaphore_mem>>)
      %dma_wait3A_126 = arith.constant 0 : i32
      %dma_wait3A_127 = arith.constant 0 : i32
      %dma_wait3A_128 = tpu.memref_slice %arg2[%add3A_73, %dma_wait3A_126, %dma_wait3A_127] : memref<64x158x128xi32, #tpu.memory_space<hbm>> -> memref<1x158x128xi32, #tpu.memory_space<hbm>>
      %dma_wait3A_129 = tpu.memref_squeeze %dma_wait3A_128 : memref<1x158x128xi32, #tpu.memory_space<hbm>> -> memref<158x128xi32, #tpu.memory_space<hbm>>
      %dma_wait3A_130 = arith.constant 0 : i32
      %dma_wait3A_131 = arith.constant 0 : i32
      %dma_wait3A_132 = tpu.memref_slice %arg2[%add3A_73, %dma_wait3A_130, %dma_wait3A_131] : memref<64x158x128xi32, #tpu.memory_space<hbm>> -> memref<1x158x128xi32, #tpu.memory_space<hbm>>
      %dma_wait3A_133 = tpu.memref_squeeze %dma_wait3A_132 : memref<1x158x128xi32, #tpu.memory_space<hbm>> -> memref<158x128xi32, #tpu.memory_space<hbm>>
      tpu.wait_dma2 semaphore(%run_scoped3A : memref<!tpu.dma_semaphore, #tpu.memory_space<semaphore_mem>>) src(%dma_wait3A_133 : memref<158x128xi32, #tpu.memory_space<hbm>>) dst(%arg6 : memref<158x128xi32, #tpu.memory_space<vmem>>)
      tpu.yield
    }) : () -> ()
    %dma_start3A_74 = arith.constant 0 : i32
    %dma_start3A_75 = arith.constant 0 : i32
    %dma_start3A_76 = tpu.memref_slice %arg6[%dma_start3A_74, %dma_start3A_75] : memref<158x128xi32, #tpu.memory_space<vmem>> -> memref<1x128xi32, #tpu.memory_space<vmem>>
    %dma_start3A_77 = tpu.memref_squeeze %dma_start3A_76 : memref<1x128xi32, #tpu.memory_space<vmem>> -> memref<128xi32, #tpu.memory_space<vmem>>
    %dma_start3A_78 = arith.constant 0 : i32
    %dma_start3A_79 = arith.constant 0 : i32
    %dma_start3A_80 = tpu.memref_slice %arg4[%dma_start3A_78, %dma_start3A_79] : memref<40000x32xf32, #tpu.memory_space<hbm>> -> memref<40000x32xf32, #tpu.memory_space<hbm>>
    tpu.enqueue_indirect_dma source(%dma_start3A_80 : memref<40000x32xf32, #tpu.memory_space<hbm>>) target(%arg8 : memref<128x32xf32, #tpu.memory_space<vmem>>) offsets(%dma_start3A_77 : memref<128xi32, #tpu.memory_space<vmem>>) semaphore(%arg13 : memref<!tpu.dma_semaphore, #tpu.memory_space<semaphore_mem>>)
    %dma_start3A_81 = arith.constant 1 : i32
    %dma_start3A_82 = arith.constant 0 : i32
    %dma_start3A_83 = tpu.memref_slice %arg6[%dma_start3A_81, %dma_start3A_82] : memref<158x128xi32, #tpu.memory_space<vmem>> -> memref<1x128xi32, #tpu.memory_space<vmem>>
    %dma_start3A_84 = tpu.memref_squeeze %dma_start3A_83 : memref<1x128xi32, #tpu.memory_space<vmem>> -> memref<128xi32, #tpu.memory_space<vmem>>
    %dma_start3A_85 = arith.constant 0 : i32
    %dma_start3A_86 = arith.constant 0 : i32
    %dma_start3A_87 = tpu.memref_slice %arg4[%dma_start3A_85, %dma_start3A_86] : memref<40000x32xf32, #tpu.memory_space<hbm>> -> memref<40000x32xf32, #tpu.memory_space<hbm>>
    tpu.enqueue_indirect_dma source(%dma_start3A_87 : memref<40000x32xf32, #tpu.memory_space<hbm>>) target(%arg9 : memref<128x32xf32, #tpu.memory_space<vmem>>) offsets(%dma_start3A_84 : memref<128xi32, #tpu.memory_space<vmem>>) semaphore(%arg14 : memref<!tpu.dma_semaphore, #tpu.memory_space<semaphore_mem>>)
    %mul3A_88 = arith.constant 1920 : i32
    %mul3A_89 = arith.muli %arg1, %mul3A_88 : i32
    %add3A_90 = arith.constant 0 : i32
    %add3A_91 = arith.addi %mul3A_89, %add3A_90 : i32
    "tpu.region"() ({
      %run_scoped3A = tpu.sem_alloc : memref<!tpu.dma_semaphore, #tpu.memory_space<semaphore_mem>>
      %dma_start3A_118 = arith.constant 0 : i32
      %dma_start3A_119 = tpu.memref_slice %arg11[%add3A_91, %dma_start3A_118] : memref<30720x32xf32, #tpu.memory_space<vmem_shared>> -> memref<480x32xf32, #tpu.memory_space<vmem_shared>>
      %dma_start3A_120 = arith.constant 0 : i32
      %dma_start3A_121 = tpu.memref_slice %arg11[%add3A_91, %dma_start3A_120] : memref<30720x32xf32, #tpu.memory_space<vmem_shared>> -> memref<480x32xf32, #tpu.memory_space<vmem_shared>>
      tpu.enqueue_dma source(%arg10 : memref<480x32xf32, #tpu.memory_space<vmem>>) target(%dma_start3A_121 : memref<480x32xf32, #tpu.memory_space<vmem_shared>>) target_semaphore(%run_scoped3A : memref<!tpu.dma_semaphore, #tpu.memory_space<semaphore_mem>>)
      %dma_wait3A_122 = arith.constant 0 : i32
      %dma_wait3A_123 = tpu.memref_slice %arg11[%add3A_91, %dma_wait3A_122] : memref<30720x32xf32, #tpu.memory_space<vmem_shared>> -> memref<480x32xf32, #tpu.memory_space<vmem_shared>>
      %dma_wait3A_124 = arith.constant 0 : i32
      %dma_wait3A_125 = tpu.memref_slice %arg11[%add3A_91, %dma_wait3A_124] : memref<30720x32xf32, #tpu.memory_space<vmem_shared>> -> memref<480x32xf32, #tpu.memory_space<vmem_shared>>
      tpu.wait_dma2 semaphore(%run_scoped3A : memref<!tpu.dma_semaphore, #tpu.memory_space<semaphore_mem>>) src(%arg10 : memref<480x32xf32, #tpu.memory_space<vmem>>) dst(%dma_wait3A_125 : memref<480x32xf32, #tpu.memory_space<vmem_shared>>)
      tpu.yield
    }) : () -> ()
    %add3A_92 = arith.constant 480 : i32
    %add3A_93 = arith.addi %mul3A_89, %add3A_92 : i32
    "tpu.region"() ({
      %run_scoped3A = tpu.sem_alloc : memref<!tpu.dma_semaphore, #tpu.memory_space<semaphore_mem>>
      %dma_start3A_118 = arith.constant 0 : i32
      %dma_start3A_119 = tpu.memref_slice %arg11[%add3A_93, %dma_start3A_118] : memref<30720x32xf32, #tpu.memory_space<vmem_shared>> -> memref<480x32xf32, #tpu.memory_space<vmem_shared>>
      %dma_start3A_120 = arith.constant 0 : i32
      %dma_start3A_121 = tpu.memref_slice %arg11[%add3A_93, %dma_start3A_120] : memref<30720x32xf32, #tpu.memory_space<vmem_shared>> -> memref<480x32xf32, #tpu.memory_space<vmem_shared>>
      tpu.enqueue_dma source(%arg10 : memref<480x32xf32, #tpu.memory_space<vmem>>) target(%dma_start3A_121 : memref<480x32xf32, #tpu.memory_space<vmem_shared>>) target_semaphore(%run_scoped3A : memref<!tpu.dma_semaphore, #tpu.memory_space<semaphore_mem>>)
      %dma_wait3A_122 = arith.constant 0 : i32
      %dma_wait3A_123 = tpu.memref_slice %arg11[%add3A_93, %dma_wait3A_122] : memref<30720x32xf32, #tpu.memory_space<vmem_shared>> -> memref<480x32xf32, #tpu.memory_space<vmem_shared>>
      %dma_wait3A_124 = arith.constant 0 : i32
      %dma_wait3A_125 = tpu.memref_slice %arg11[%add3A_93, %dma_wait3A_124] : memref<30720x32xf32, #tpu.memory_space<vmem_shared>> -> memref<480x32xf32, #tpu.memory_space<vmem_shared>>
      tpu.wait_dma2 semaphore(%run_scoped3A : memref<!tpu.dma_semaphore, #tpu.memory_space<semaphore_mem>>) src(%arg10 : memref<480x32xf32, #tpu.memory_space<vmem>>) dst(%dma_wait3A_125 : memref<480x32xf32, #tpu.memory_space<vmem_shared>>)
      tpu.yield
    }) : () -> ()
    %add3A_94 = arith.constant 960 : i32
    %add3A_95 = arith.addi %mul3A_89, %add3A_94 : i32
    "tpu.region"() ({
      %run_scoped3A = tpu.sem_alloc : memref<!tpu.dma_semaphore, #tpu.memory_space<semaphore_mem>>
      %dma_start3A_118 = arith.constant 0 : i32
      %dma_start3A_119 = tpu.memref_slice %arg11[%add3A_95, %dma_start3A_118] : memref<30720x32xf32, #tpu.memory_space<vmem_shared>> -> memref<480x32xf32, #tpu.memory_space<vmem_shared>>
      %dma_start3A_120 = arith.constant 0 : i32
      %dma_start3A_121 = tpu.memref_slice %arg11[%add3A_95, %dma_start3A_120] : memref<30720x32xf32, #tpu.memory_space<vmem_shared>> -> memref<480x32xf32, #tpu.memory_space<vmem_shared>>
      tpu.enqueue_dma source(%arg10 : memref<480x32xf32, #tpu.memory_space<vmem>>) target(%dma_start3A_121 : memref<480x32xf32, #tpu.memory_space<vmem_shared>>) target_semaphore(%run_scoped3A : memref<!tpu.dma_semaphore, #tpu.memory_space<semaphore_mem>>)
      %dma_wait3A_122 = arith.constant 0 : i32
      %dma_wait3A_123 = tpu.memref_slice %arg11[%add3A_95, %dma_wait3A_122] : memref<30720x32xf32, #tpu.memory_space<vmem_shared>> -> memref<480x32xf32, #tpu.memory_space<vmem_shared>>
      %dma_wait3A_124 = arith.constant 0 : i32
      %dma_wait3A_125 = tpu.memref_slice %arg11[%add3A_95, %dma_wait3A_124] : memref<30720x32xf32, #tpu.memory_space<vmem_shared>> -> memref<480x32xf32, #tpu.memory_space<vmem_shared>>
      tpu.wait_dma2 semaphore(%run_scoped3A : memref<!tpu.dma_semaphore, #tpu.memory_space<semaphore_mem>>) src(%arg10 : memref<480x32xf32, #tpu.memory_space<vmem>>) dst(%dma_wait3A_125 : memref<480x32xf32, #tpu.memory_space<vmem_shared>>)
      tpu.yield
    }) : () -> ()
    %add3A_96 = arith.constant 1440 : i32
    %add3A_97 = arith.addi %mul3A_89, %add3A_96 : i32
    "tpu.region"() ({
      %run_scoped3A = tpu.sem_alloc : memref<!tpu.dma_semaphore, #tpu.memory_space<semaphore_mem>>
      %dma_start3A_118 = arith.constant 0 : i32
      %dma_start3A_119 = tpu.memref_slice %arg11[%add3A_97, %dma_start3A_118] : memref<30720x32xf32, #tpu.memory_space<vmem_shared>> -> memref<480x32xf32, #tpu.memory_space<vmem_shared>>
      %dma_start3A_120 = arith.constant 0 : i32
      %dma_start3A_121 = tpu.memref_slice %arg11[%add3A_97, %dma_start3A_120] : memref<30720x32xf32, #tpu.memory_space<vmem_shared>> -> memref<480x32xf32, #tpu.memory_space<vmem_shared>>
      tpu.enqueue_dma source(%arg10 : memref<480x32xf32, #tpu.memory_space<vmem>>) target(%dma_start3A_121 : memref<480x32xf32, #tpu.memory_space<vmem_shared>>) target_semaphore(%run_scoped3A : memref<!tpu.dma_semaphore, #tpu.memory_space<semaphore_mem>>)
      %dma_wait3A_122 = arith.constant 0 : i32
      %dma_wait3A_123 = tpu.memref_slice %arg11[%add3A_97, %dma_wait3A_122] : memref<30720x32xf32, #tpu.memory_space<vmem_shared>> -> memref<480x32xf32, #tpu.memory_space<vmem_shared>>
      %dma_wait3A_124 = arith.constant 0 : i32
      %dma_wait3A_125 = tpu.memref_slice %arg11[%add3A_97, %dma_wait3A_124] : memref<30720x32xf32, #tpu.memory_space<vmem_shared>> -> memref<480x32xf32, #tpu.memory_space<vmem_shared>>
      tpu.wait_dma2 semaphore(%run_scoped3A : memref<!tpu.dma_semaphore, #tpu.memory_space<semaphore_mem>>) src(%arg10 : memref<480x32xf32, #tpu.memory_space<vmem>>) dst(%dma_wait3A_125 : memref<480x32xf32, #tpu.memory_space<vmem_shared>>)
      tpu.yield
    }) : () -> ()
    %barrier3A_98 = arith.constant 0 : index
    tpu.barrier barrier_id(%barrier3A_98)
    %scan3A_99 = arith.constant 0 : i32
    %scan3A_100 = arith.constant 79 : i32
    %scan3A_101 = arith.addi %scan3A_99, %scan3A_100 : i32
    %scan3A_102 = arith.constant 1 : i32
    scf.for %scan3A_118 = %scan3A_99 to %scan3A_101 step %scan3A_102  : i32 {
      %mul3A_119 = arith.constant 1 : i32
      %mul3A_120 = arith.muli %scan3A_118, %mul3A_119 : i32
      %add3A_121 = arith.constant 0 : i32
      %add3A_122 = arith.addi %add3A_121, %mul3A_120 : i32
      %mul3A_123 = arith.constant 2 : i32
      %mul3A_124 = arith.muli %mul3A_123, %add3A_122 : i32
      %add3A_125 = arith.constant 0 : i32
      %add3A_126 = arith.addi %mul3A_124, %add3A_125 : i32
      %dma_wait3A_127 = arith.constant 0 : i32
      %dma_wait3A_128 = tpu.memref_slice %arg6[%add3A_126, %dma_wait3A_127] : memref<158x128xi32, #tpu.memory_space<vmem>> -> memref<1x128xi32, #tpu.memory_space<vmem>>
      %dma_wait3A_129 = tpu.memref_squeeze %dma_wait3A_128 : memref<1x128xi32, #tpu.memory_space<vmem>> -> memref<128xi32, #tpu.memory_space<vmem>>
      %dma_wait3A_130 = arith.constant 0 : i32
      %dma_wait3A_131 = arith.constant 0 : i32
      %dma_wait3A_132 = tpu.memref_slice %arg4[%dma_wait3A_130, %dma_wait3A_131] : memref<40000x32xf32, #tpu.memory_space<hbm>> -> memref<40000x32xf32, #tpu.memory_space<hbm>>
      tpu.wait_indirect_dma semaphore(%arg13 : memref<!tpu.dma_semaphore, #tpu.memory_space<semaphore_mem>>) src(%dma_wait3A_132 : memref<40000x32xf32, #tpu.memory_space<hbm>>) dst(%arg8 : memref<128x32xf32, #tpu.memory_space<vmem>>)
      %add3A_133 = arith.constant 0 : i32
      %add3A_134 = arith.addi %mul3A_124, %add3A_133 : i32
      "tpu.region"() ({
        %run_scoped3A = tpu.sem_alloc : memref<!tpu.dma_semaphore, #tpu.memory_space<semaphore_mem>>
        %dma_start3A_155 = arith.constant 0 : i32
        %dma_start3A_156 = tpu.memref_slice %arg7[%add3A_134, %dma_start3A_155] : memref<158x128xi32, #tpu.memory_space<vmem>> -> memref<1x128xi32, #tpu.memory_space<vmem>>
        %dma_start3A_157 = tpu.memref_squeeze %dma_start3A_156 : memref<1x128xi32, #tpu.memory_space<vmem>> -> memref<128xi32, #tpu.memory_space<vmem>>
        %dma_start3A_158 = arith.constant 0 : i32
        %dma_start3A_159 = arith.constant 0 : i32
        %dma_start3A_160 = tpu.memref_slice %arg11[%dma_start3A_158, %dma_start3A_159] : memref<30720x32xf32, #tpu.memory_space<vmem_shared>> -> memref<30720x32xf32, #tpu.memory_space<vmem_shared>>
        tpu.enqueue_indirect_dma source(%arg8 : memref<128x32xf32, #tpu.memory_space<vmem>>) target(%dma_start3A_160 : memref<30720x32xf32, #tpu.memory_space<vmem_shared>>) offsets(%dma_start3A_157 : memref<128xi32, #tpu.memory_space<vmem>>) semaphore(%run_scoped3A : memref<!tpu.dma_semaphore, #tpu.memory_space<semaphore_mem>>) {add = true}
        %dma_wait3A_161 = arith.constant 0 : i32
        %dma_wait3A_162 = tpu.memref_slice %arg7[%add3A_134, %dma_wait3A_161] : memref<158x128xi32, #tpu.memory_space<vmem>> -> memref<1x128xi32, #tpu.memory_space<vmem>>
        %dma_wait3A_163 = tpu.memref_squeeze %dma_wait3A_162 : memref<1x128xi32, #tpu.memory_space<vmem>> -> memref<128xi32, #tpu.memory_space<vmem>>
        %dma_wait3A_164 = arith.constant 0 : i32
        %dma_wait3A_165 = arith.constant 0 : i32
        %dma_wait3A_166 = tpu.memref_slice %arg11[%dma_wait3A_164, %dma_wait3A_165] : memref<30720x32xf32, #tpu.memory_space<vmem_shared>> -> memref<30720x32xf32, #tpu.memory_space<vmem_shared>>
        tpu.wait_indirect_dma semaphore(%run_scoped3A : memref<!tpu.dma_semaphore, #tpu.memory_space<semaphore_mem>>) src(%arg8 : memref<128x32xf32, #tpu.memory_space<vmem>>) dst(%dma_wait3A_166 : memref<30720x32xf32, #tpu.memory_space<vmem_shared>>)
        tpu.yield
      }) : () -> ()
      %lt3A_135 = arith.constant 78 : i32
      %lt3A_136 = arith.cmpi slt, %add3A_122, %lt3A_135 : i32
      %convert_element_type3A_137 = arith.extui %lt3A_136 : i1 to i32
      %cond3A_138 = arith.constant 0 : i32
      %cond3A_139 = arith.cmpi ne, %convert_element_type3A_137, %cond3A_138 : i32
      scf.if %cond3A_139 {
        %add3A_155 = arith.constant 0 : i32
        %add3A_156 = arith.addi %mul3A_124, %add3A_155 : i32
        %add3A_157 = arith.constant 2 : i32
        %add3A_158 = arith.addi %add3A_156, %add3A_157 : i32
        %dma_start3A_159 = arith.constant 0 : i32
        %dma_start3A_160 = tpu.memref_slice %arg6[%add3A_158, %dma_start3A_159] : memref<158x128xi32, #tpu.memory_space<vmem>> -> memref<1x128xi32, #tpu.memory_space<vmem>>
        %dma_start3A_161 = tpu.memref_squeeze %dma_start3A_160 : memref<1x128xi32, #tpu.memory_space<vmem>> -> memref<128xi32, #tpu.memory_space<vmem>>
        %dma_start3A_162 = arith.constant 0 : i32
        %dma_start3A_163 = arith.constant 0 : i32
        %dma_start3A_164 = tpu.memref_slice %arg4[%dma_start3A_162, %dma_start3A_163] : memref<40000x32xf32, #tpu.memory_space<hbm>> -> memref<40000x32xf32, #tpu.memory_space<hbm>>
        tpu.enqueue_indirect_dma source(%dma_start3A_164 : memref<40000x32xf32, #tpu.memory_space<hbm>>) target(%arg8 : memref<128x32xf32, #tpu.memory_space<vmem>>) offsets(%dma_start3A_161 : memref<128xi32, #tpu.memory_space<vmem>>) semaphore(%arg13 : memref<!tpu.dma_semaphore, #tpu.memory_space<semaphore_mem>>)
      } else {
      }
      %add3A_140 = arith.constant 1 : i32
      %add3A_141 = arith.addi %mul3A_124, %add3A_140 : i32
      %dma_wait3A_142 = arith.constant 0 : i32
      %dma_wait3A_143 = tpu.memref_slice %arg6[%add3A_141, %dma_wait3A_142] : memref<158x128xi32, #tpu.memory_space<vmem>> -> memref<1x128xi32, #tpu.memory_space<vmem>>
      %dma_wait3A_144 = tpu.memref_squeeze %dma_wait3A_143 : memref<1x128xi32, #tpu.memory_space<vmem>> -> memref<128xi32, #tpu.memory_space<vmem>>
      %dma_wait3A_145 = arith.constant 0 : i32
      %dma_wait3A_146 = arith.constant 0 : i32
      %dma_wait3A_147 = tpu.memref_slice %arg4[%dma_wait3A_145, %dma_wait3A_146] : memref<40000x32xf32, #tpu.memory_space<hbm>> -> memref<40000x32xf32, #tpu.memory_space<hbm>>
      tpu.wait_indirect_dma semaphore(%arg14 : memref<!tpu.dma_semaphore, #tpu.memory_space<semaphore_mem>>) src(%dma_wait3A_147 : memref<40000x32xf32, #tpu.memory_space<hbm>>) dst(%arg9 : memref<128x32xf32, #tpu.memory_space<vmem>>)
      %add3A_148 = arith.constant 1 : i32
      %add3A_149 = arith.addi %mul3A_124, %add3A_148 : i32
      "tpu.region"() ({
        %run_scoped3A = tpu.sem_alloc : memref<!tpu.dma_semaphore, #tpu.memory_space<semaphore_mem>>
        %dma_start3A_155 = arith.constant 0 : i32
        %dma_start3A_156 = tpu.memref_slice %arg7[%add3A_149, %dma_start3A_155] : memref<158x128xi32, #tpu.memory_space<vmem>> -> memref<1x128xi32, #tpu.memory_space<vmem>>
        %dma_start3A_157 = tpu.memref_squeeze %dma_start3A_156 : memref<1x128xi32, #tpu.memory_space<vmem>> -> memref<128xi32, #tpu.memory_space<vmem>>
        %dma_start3A_158 = arith.constant 0 : i32
        %dma_start3A_159 = arith.constant 0 : i32
        %dma_start3A_160 = tpu.memref_slice %arg11[%dma_start3A_158, %dma_start3A_159] : memref<30720x32xf32, #tpu.memory_space<vmem_shared>> -> memref<30720x32xf32, #tpu.memory_space<vmem_shared>>
        tpu.enqueue_indirect_dma source(%arg9 : memref<128x32xf32, #tpu.memory_space<vmem>>) target(%dma_start3A_160 : memref<30720x32xf32, #tpu.memory_space<vmem_shared>>) offsets(%dma_start3A_157 : memref<128xi32, #tpu.memory_space<vmem>>) semaphore(%run_scoped3A : memref<!tpu.dma_semaphore, #tpu.memory_space<semaphore_mem>>) {add = true}
        %dma_wait3A_161 = arith.constant 0 : i32
        %dma_wait3A_162 = tpu.memref_slice %arg7[%add3A_149, %dma_wait3A_161] : memref<158x128xi32, #tpu.memory_space<vmem>> -> memref<1x128xi32, #tpu.memory_space<vmem>>
        %dma_wait3A_163 = tpu.memref_squeeze %dma_wait3A_162 : memref<1x128xi32, #tpu.memory_space<vmem>> -> memref<128xi32, #tpu.memory_space<vmem>>
        %dma_wait3A_164 = arith.constant 0 : i32
        %dma_wait3A_165 = arith.constant 0 : i32
        %dma_wait3A_166 = tpu.memref_slice %arg11[%dma_wait3A_164, %dma_wait3A_165] : memref<30720x32xf32, #tpu.memory_space<vmem_shared>> -> memref<30720x32xf32, #tpu.memory_space<vmem_shared>>
        tpu.wait_indirect_dma semaphore(%run_scoped3A : memref<!tpu.dma_semaphore, #tpu.memory_space<semaphore_mem>>) src(%arg9 : memref<128x32xf32, #tpu.memory_space<vmem>>) dst(%dma_wait3A_166 : memref<30720x32xf32, #tpu.memory_space<vmem_shared>>)
        tpu.yield
      }) : () -> ()
      %lt3A_150 = arith.constant 78 : i32
      %lt3A_151 = arith.cmpi slt, %add3A_122, %lt3A_150 : i32
      %convert_element_type3A_152 = arith.extui %lt3A_151 : i1 to i32
      %cond3A_153 = arith.constant 0 : i32
      %cond3A_154 = arith.cmpi ne, %convert_element_type3A_152, %cond3A_153 : i32
      scf.if %cond3A_154 {
        %add3A_155 = arith.constant 1 : i32
        %add3A_156 = arith.addi %mul3A_124, %add3A_155 : i32
        %add3A_157 = arith.constant 2 : i32
        %add3A_158 = arith.addi %add3A_156, %add3A_157 : i32
        %dma_start3A_159 = arith.constant 0 : i32
        %dma_start3A_160 = tpu.memref_slice %arg6[%add3A_158, %dma_start3A_159] : memref<158x128xi32, #tpu.memory_space<vmem>> -> memref<1x128xi32, #tpu.memory_space<vmem>>
        %dma_start3A_161 = tpu.memref_squeeze %dma_start3A_160 : memref<1x128xi32, #tpu.memory_space<vmem>> -> memref<128xi32, #tpu.memory_space<vmem>>
        %dma_start3A_162 = arith.constant 0 : i32
        %dma_start3A_163 = arith.constant 0 : i32
        %dma_start3A_164 = tpu.memref_slice %arg4[%dma_start3A_162, %dma_start3A_163] : memref<40000x32xf32, #tpu.memory_space<hbm>> -> memref<40000x32xf32, #tpu.memory_space<hbm>>
        tpu.enqueue_indirect_dma source(%dma_start3A_164 : memref<40000x32xf32, #tpu.memory_space<hbm>>) target(%arg9 : memref<128x32xf32, #tpu.memory_space<vmem>>) offsets(%dma_start3A_161 : memref<128xi32, #tpu.memory_space<vmem>>) semaphore(%arg14 : memref<!tpu.dma_semaphore, #tpu.memory_space<semaphore_mem>>)
      } else {
      }
    }
    %scan3A_103 = arith.constant 79 : i32
    %barrier3A_104 = arith.constant 0 : index
    tpu.barrier barrier_id(%barrier3A_104)
    %mul3A_105 = arith.constant 1880 : i32
    %mul3A_106 = arith.muli %arg1, %mul3A_105 : i32
    %lt3A_107 = arith.constant 15 : i32
    %lt3A_108 = arith.cmpi slt, %arg1, %lt3A_107 : i32
    %convert_element_type3A_109 = arith.extui %lt3A_108 : i1 to i32
    %cond3A_110 = arith.constant 0 : i32
    %cond3A_111 = arith.cmpi ne, %convert_element_type3A_109, %cond3A_110 : i32
    scf.if %cond3A_111 {
      %mul3A_118 = arith.constant 32 : i32
      %mul3A_119 = arith.muli %add3A_66, %mul3A_118 : i32
      "tpu.region"() ({
        %run_scoped3A = tpu.sem_alloc : memref<!tpu.dma_semaphore, #tpu.memory_space<semaphore_mem>>
        %dma_start3A_120 = tpu.memref_slice %arg5[%mul3A_106, %mul3A_119] : memref<30000x128xf32, #tpu.memory_space<hbm>> -> memref<1880x32xf32, #tpu.memory_space<hbm>>
        %dma_start3A_121 = arith.constant 0 : i32
        %dma_start3A_122 = tpu.memref_slice %arg11[%mul3A_106, %dma_start3A_121] : memref<30720x32xf32, #tpu.memory_space<vmem_shared>> -> memref<1880x32xf32, #tpu.memory_space<vmem_shared>>
        tpu.enqueue_dma source(%dma_start3A_122 : memref<1880x32xf32, #tpu.memory_space<vmem_shared>>) target(%dma_start3A_120 : memref<1880x32xf32, #tpu.memory_space<hbm>>) target_semaphore(%run_scoped3A : memref<!tpu.dma_semaphore, #tpu.memory_space<semaphore_mem>>)
        %dma_wait3A_123 = tpu.memref_slice %arg5[%mul3A_106, %mul3A_119] : memref<30000x128xf32, #tpu.memory_space<hbm>> -> memref<1880x32xf32, #tpu.memory_space<hbm>>
        %dma_wait3A_124 = arith.constant 0 : i32
        %dma_wait3A_125 = tpu.memref_slice %arg11[%mul3A_106, %dma_wait3A_124] : memref<30720x32xf32, #tpu.memory_space<vmem_shared>> -> memref<1880x32xf32, #tpu.memory_space<vmem_shared>>
        tpu.wait_dma2 semaphore(%run_scoped3A : memref<!tpu.dma_semaphore, #tpu.memory_space<semaphore_mem>>) src(%dma_wait3A_125 : memref<1880x32xf32, #tpu.memory_space<vmem_shared>>) dst(%dma_wait3A_123 : memref<1880x32xf32, #tpu.memory_space<hbm>>)
        tpu.yield
      }) : () -> ()
    } else {
    }
    %eq3A_112 = arith.constant 15 : i32
    %eq3A_113 = arith.cmpi eq, %arg1, %eq3A_112 : i32
    %convert_element_type3A_114 = arith.extui %eq3A_113 : i1 to i32
    %cond3A_115 = arith.constant 0 : i32
    %cond3A_116 = arith.cmpi ne, %convert_element_type3A_114, %cond3A_115 : i32
    scf.if %cond3A_116 {
      %mul3A_118 = arith.constant 32 : i32
      %mul3A_119 = arith.muli %add3A_66, %mul3A_118 : i32
      "tpu.region"() ({
        %run_scoped3A = tpu.sem_alloc : memref<!tpu.dma_semaphore, #tpu.memory_space<semaphore_mem>>
        %dma_start3A_120 = tpu.memref_slice %arg5[%mul3A_106, %mul3A_119] : memref<30000x128xf32, #tpu.memory_space<hbm>> -> memref<1800x32xf32, #tpu.memory_space<hbm>>
        %dma_start3A_121 = arith.constant 0 : i32
        %dma_start3A_122 = tpu.memref_slice %arg11[%mul3A_106, %dma_start3A_121] : memref<30720x32xf32, #tpu.memory_space<vmem_shared>> -> memref<1800x32xf32, #tpu.memory_space<vmem_shared>>
        tpu.enqueue_dma source(%dma_start3A_122 : memref<1800x32xf32, #tpu.memory_space<vmem_shared>>) target(%dma_start3A_120 : memref<1800x32xf32, #tpu.memory_space<hbm>>) target_semaphore(%run_scoped3A : memref<!tpu.dma_semaphore, #tpu.memory_space<semaphore_mem>>)
        %dma_wait3A_123 = tpu.memref_slice %arg5[%mul3A_106, %mul3A_119] : memref<30000x128xf32, #tpu.memory_space<hbm>> -> memref<1800x32xf32, #tpu.memory_space<hbm>>
        %dma_wait3A_124 = arith.constant 0 : i32
        %dma_wait3A_125 = tpu.memref_slice %arg11[%mul3A_106, %dma_wait3A_124] : memref<30720x32xf32, #tpu.memory_space<vmem_shared>> -> memref<1800x32xf32, #tpu.memory_space<vmem_shared>>
        tpu.wait_dma2 semaphore(%run_scoped3A : memref<!tpu.dma_semaphore, #tpu.memory_space<semaphore_mem>>) src(%dma_wait3A_125 : memref<1800x32xf32, #tpu.memory_space<vmem_shared>>) dst(%dma_wait3A_123 : memref<1800x32xf32, #tpu.memory_space<hbm>>)
        tpu.yield
      }) : () -> ()
    } else {
    }
    %barrier3A_117 = arith.constant 0 : index
    tpu.barrier barrier_id(%barrier3A_117)
    return
  }
}

module attributes {stable_mosaic.version = 14 : i64} {
  func.func @_tc2_body(%arg0: i32, %arg1: memref<3x2000x128xf32, #tpu.memory_space<vmem>>, %arg2: memref<1x128xf32, #tpu.memory_space<vmem>>, %arg3: memref<1x128xf32, #tpu.memory_space<vmem>>, %arg4: memref<1x128xf32, #tpu.memory_space<vmem>>, %arg5: memref<1x128xf32, #tpu.memory_space<vmem>>, %arg6: memref<3x2000x128xf32, #tpu.memory_space<vmem>>) attributes {dimension_semantics = [#tpu.dimension_semantics<arbitrary>], iteration_bounds = array<i64: 5>, scalar_prefetch = 0 : i64, scratch_operands = 0 : i64, tpu.core_type = #tpu.core_type<tc>, window_params = [{transform_indices = @transform_0, window_bounds = array<i64: 3, 2000, 128>}, {pipeline_mode = #tpu.pipeline_mode<synchronous>, transform_indices = @transform_1, window_bounds = array<i64: 1, 128>}, {pipeline_mode = #tpu.pipeline_mode<synchronous>, transform_indices = @transform_2, window_bounds = array<i64: 1, 128>}, {pipeline_mode = #tpu.pipeline_mode<synchronous>, transform_indices = @transform_3, window_bounds = array<i64: 1, 128>}, {pipeline_mode = #tpu.pipeline_mode<synchronous>, transform_indices = @transform_4, window_bounds = array<i64: 1, 128>}, {transform_indices = @transform_5, window_bounds = array<i64: 3, 2000, 128>}]} {
    %get3A = arith.constant 0 : index
    %get3A_0 = arith.constant 0 : index
    %get3A_1 = vector.load %arg2[%get3A, %get3A_0] : memref<1x128xf32, #tpu.memory_space<vmem>>, vector<1x128xf32>
    %mul3A = arith.constant 3.33333337E-5 : f32
    %mul3A_2 = vector.broadcast %mul3A : f32 to vector<1x128xf32>
    %mul3A_3 = arith.mulf %get3A_1, %mul3A_2 : vector<1x128xf32>
    %get3A_4 = arith.constant 0 : index
    %get3A_5 = arith.constant 0 : index
    %get3A_6 = vector.load %arg3[%get3A_4, %get3A_5] : memref<1x128xf32, #tpu.memory_space<vmem>>, vector<1x128xf32>
    %mul3A_7 = arith.constant 3.33333337E-5 : f32
    %mul3A_8 = vector.broadcast %mul3A_7 : f32 to vector<1x128xf32>
    %mul3A_9 = arith.mulf %get3A_6, %mul3A_8 : vector<1x128xf32>
    %mul3A_10 = arith.mulf %mul3A_3, %mul3A_3 : vector<1x128xf32>
    %sub3A = arith.subf %mul3A_9, %mul3A_10 : vector<1x128xf32>
    %get3A_11 = arith.constant 0 : index
    %get3A_12 = arith.constant 0 : index
    %get3A_13 = vector.load %arg4[%get3A_11, %get3A_12] : memref<1x128xf32, #tpu.memory_space<vmem>>, vector<1x128xf32>
    %add3A = arith.constant 9.99999974E-6 : f32
    %add3A_14 = vector.broadcast %add3A : f32 to vector<1x128xf32>
    %add3A_15 = arith.addf %sub3A, %add3A_14 : vector<1x128xf32>
    %rsqrt3A = math.rsqrt %add3A_15 : vector<1x128xf32>
    %mul3A_16 = arith.mulf %get3A_13, %rsqrt3A : vector<1x128xf32>
    %get3A_17 = arith.constant 0 : index
    %get3A_18 = arith.constant 0 : index
    %get3A_19 = vector.load %arg5[%get3A_17, %get3A_18] : memref<1x128xf32, #tpu.memory_space<vmem>>, vector<1x128xf32>
    %mul3A_20 = arith.mulf %mul3A_3, %mul3A_16 : vector<1x128xf32>
    %sub3A_21 = arith.subf %get3A_19, %mul3A_20 : vector<1x128xf32>
    %get3A_22 = arith.constant 0 : index
    %get3A_23 = arith.constant 0 : index
    %get3A_24 = arith.constant 0 : index
    %get3A_25 = vector.load %arg1[%get3A_22, %get3A_23, %get3A_24] : memref<3x2000x128xf32, #tpu.memory_space<vmem>>, vector<1x2000x128xf32>
    %get3A_26 = vector.shape_cast %get3A_25 : vector<1x2000x128xf32> to vector<2000x128xf32>
    %mul3A_27 = vector.broadcast %mul3A_16 : vector<1x128xf32> to vector<2000x128xf32>
    %mul3A_28 = arith.mulf %get3A_26, %mul3A_27 : vector<2000x128xf32>
    %add3A_29 = vector.broadcast %sub3A_21 : vector<1x128xf32> to vector<2000x128xf32>
    %add3A_30 = arith.addf %mul3A_28, %add3A_29 : vector<2000x128xf32>
    %swap3A = arith.constant 0 : index
    %swap3A_31 = arith.constant 0 : index
    %swap3A_32 = arith.constant 0 : index
    %swap3A_33 = vector.load %arg6[%swap3A, %swap3A_31, %swap3A_32] : memref<3x2000x128xf32, #tpu.memory_space<vmem>>, vector<1x2000x128xf32>
    %swap3A_34 = vector.shape_cast %swap3A_33 : vector<1x2000x128xf32> to vector<2000x128xf32>
    %swap3A_35 = vector.shape_cast %add3A_30 : vector<2000x128xf32> to vector<1x2000x128xf32>
    tpu.vector_store %arg6[%swap3A, %swap3A_31, %swap3A_32], %swap3A_35 {strides = array<i32>} : memref<3x2000x128xf32, #tpu.memory_space<vmem>>, vector<1x2000x128xf32>,
    %get3A_36 = arith.constant 1 : index
    %get3A_37 = arith.constant 0 : index
    %get3A_38 = arith.constant 0 : index
    %get3A_39 = vector.load %arg1[%get3A_36, %get3A_37, %get3A_38] : memref<3x2000x128xf32, #tpu.memory_space<vmem>>, vector<1x2000x128xf32>
    %get3A_40 = vector.shape_cast %get3A_39 : vector<1x2000x128xf32> to vector<2000x128xf32>
    %mul3A_41 = vector.broadcast %mul3A_16 : vector<1x128xf32> to vector<2000x128xf32>
    %mul3A_42 = arith.mulf %get3A_40, %mul3A_41 : vector<2000x128xf32>
    %add3A_43 = vector.broadcast %sub3A_21 : vector<1x128xf32> to vector<2000x128xf32>
    %add3A_44 = arith.addf %mul3A_42, %add3A_43 : vector<2000x128xf32>
    %swap3A_45 = arith.constant 1 : index
    %swap3A_46 = arith.constant 0 : index
    %swap3A_47 = arith.constant 0 : index
    %swap3A_48 = vector.load %arg6[%swap3A_45, %swap3A_46, %swap3A_47] : memref<3x2000x128xf32, #tpu.memory_space<vmem>>, vector<1x2000x128xf32>
    %swap3A_49 = vector.shape_cast %swap3A_48 : vector<1x2000x128xf32> to vector<2000x128xf32>
    %swap3A_50 = vector.shape_cast %add3A_44 : vector<2000x128xf32> to vector<1x2000x128xf32>
    tpu.vector_store %arg6[%swap3A_45, %swap3A_46, %swap3A_47], %swap3A_50 {strides = array<i32>} : memref<3x2000x128xf32, #tpu.memory_space<vmem>>, vector<1x2000x128xf32>,
    %get3A_51 = arith.constant 2 : index
    %get3A_52 = arith.constant 0 : index
    %get3A_53 = arith.constant 0 : index
    %get3A_54 = vector.load %arg1[%get3A_51, %get3A_52, %get3A_53] : memref<3x2000x128xf32, #tpu.memory_space<vmem>>, vector<1x2000x128xf32>
    %get3A_55 = vector.shape_cast %get3A_54 : vector<1x2000x128xf32> to vector<2000x128xf32>
    %mul3A_56 = vector.broadcast %mul3A_16 : vector<1x128xf32> to vector<2000x128xf32>
    %mul3A_57 = arith.mulf %get3A_55, %mul3A_56 : vector<2000x128xf32>
    %add3A_58 = vector.broadcast %sub3A_21 : vector<1x128xf32> to vector<2000x128xf32>
    %add3A_59 = arith.addf %mul3A_57, %add3A_58 : vector<2000x128xf32>
    %swap3A_60 = arith.constant 2 : index
    %swap3A_61 = arith.constant 0 : index
    %swap3A_62 = arith.constant 0 : index
    %swap3A_63 = vector.load %arg6[%swap3A_60, %swap3A_61, %swap3A_62] : memref<3x2000x128xf32, #tpu.memory_space<vmem>>, vector<1x2000x128xf32>
    %swap3A_64 = vector.shape_cast %swap3A_63 : vector<1x2000x128xf32> to vector<2000x128xf32>
    %swap3A_65 = vector.shape_cast %add3A_59 : vector<2000x128xf32> to vector<1x2000x128xf32>
    tpu.vector_store %arg6[%swap3A_60, %swap3A_61, %swap3A_62], %swap3A_65 {strides = array<i32>} : memref<3x2000x128xf32, #tpu.memory_space<vmem>>, vector<1x2000x128xf32>,
    return
  }
  func.func @transform_0(%arg0: i32) -> (i32, i32, i32) {
    %c0_i32 = arith.constant 0 : i32
    %c0_i32_0 = arith.constant 0 : i32
    %c0_i32_1 = arith.constant 0 : i32
    return %c0_i32, %arg0, %c0_i32_0 : i32, i32, i32
  }
  func.func @transform_1(%arg0: i32) -> (i32, i32) {
    %c0_i32 = arith.constant 0 : i32
    %c0_i32_0 = arith.constant 0 : i32
    %c0_i32_1 = arith.constant 0 : i32
    return %c0_i32, %c0_i32_0 : i32, i32
  }
  func.func @transform_2(%arg0: i32) -> (i32, i32) {
    %c0_i32 = arith.constant 0 : i32
    %c0_i32_0 = arith.constant 0 : i32
    %c0_i32_1 = arith.constant 0 : i32
    return %c0_i32, %c0_i32_0 : i32, i32
  }
  func.func @transform_3(%arg0: i32) -> (i32, i32) {
    %c0_i32 = arith.constant 0 : i32
    %c0_i32_0 = arith.constant 0 : i32
    %c0_i32_1 = arith.constant 0 : i32
    return %c0_i32, %c0_i32_0 : i32, i32
  }
  func.func @transform_4(%arg0: i32) -> (i32, i32) {
    %c0_i32 = arith.constant 0 : i32
    %c0_i32_0 = arith.constant 0 : i32
    %c0_i32_1 = arith.constant 0 : i32
    return %c0_i32, %c0_i32_0 : i32, i32
  }
  func.func @transform_5(%arg0: i32) -> (i32, i32, i32) {
    %c0_i32 = arith.constant 0 : i32
    %c0_i32_0 = arith.constant 0 : i32
    %c0_i32_1 = arith.constant 0 : i32
    return %c0_i32, %arg0, %c0_i32_0 : i32, i32, i32
  }
}

module attributes {stable_mosaic.version = 14 : i64} {
  func.func @_tc1_body(%arg0: i32, %arg1: memref<2000x128xf32, #tpu.memory_space<vmem>>, %arg2: memref<3x2000x128xf32, #tpu.memory_space<vmem>>, %arg3: memref<128x128xf32, #tpu.memory_space<vmem>>, %arg4: memref<128x128xf32, #tpu.memory_space<vmem>>, %arg5: memref<128x128xf32, #tpu.memory_space<vmem>>, %arg6: memref<128x128xf32, #tpu.memory_space<vmem>>, %arg7: memref<1x128xf32, #tpu.memory_space<vmem>>, %arg8: memref<1x128xf32, #tpu.memory_space<vmem>>, %arg9: memref<1x128xf32, #tpu.memory_space<vmem>>, %arg10: memref<1x128xf32, #tpu.memory_space<vmem>>, %arg11: memref<3x2000x128xf32, #tpu.memory_space<vmem>>, %arg12: memref<1x128xf32, #tpu.memory_space<vmem>>, %arg13: memref<1x128xf32, #tpu.memory_space<vmem>>) attributes {dimension_semantics = [#tpu.dimension_semantics<arbitrary>], iteration_bounds = array<i64: 5>, scalar_prefetch = 0 : i64, scratch_operands = 0 : i64, tpu.core_type = #tpu.core_type<tc>, window_params = [{transform_indices = @transform_0, window_bounds = array<i64: 2000, 128>}, {transform_indices = @transform_1, window_bounds = array<i64: 3, 2000, 128>}, {pipeline_mode = #tpu.pipeline_mode<synchronous>, transform_indices = @transform_2, window_bounds = array<i64: 128, 128>}, {pipeline_mode = #tpu.pipeline_mode<synchronous>, transform_indices = @transform_3, window_bounds = array<i64: 128, 128>}, {pipeline_mode = #tpu.pipeline_mode<synchronous>, transform_indices = @transform_4, window_bounds = array<i64: 128, 128>}, {pipeline_mode = #tpu.pipeline_mode<synchronous>, transform_indices = @transform_5, window_bounds = array<i64: 128, 128>}, {pipeline_mode = #tpu.pipeline_mode<synchronous>, transform_indices = @transform_6, window_bounds = array<i64: 1, 128>}, {pipeline_mode = #tpu.pipeline_mode<synchronous>, transform_indices = @transform_7, window_bounds = array<i64: 1, 128>}, {pipeline_mode = #tpu.pipeline_mode<synchronous>, transform_indices = @transform_8, window_bounds = array<i64: 1, 128>}, {pipeline_mode = #tpu.pipeline_mode<synchronous>, transform_indices = @transform_9, window_bounds = array<i64: 1, 128>}, {transform_indices = @transform_10, window_bounds = array<i64: 3, 2000, 128>}, {pipeline_mode = #tpu.pipeline_mode<synchronous>, transform_indices = @transform_11, window_bounds = array<i64: 1, 128>}, {pipeline_mode = #tpu.pipeline_mode<synchronous>, transform_indices = @transform_12, window_bounds = array<i64: 1, 128>}]} {
    %get3A = arith.constant 0 : index
    %get3A_0 = arith.constant 0 : index
    %get3A_1 = vector.load %arg1[%get3A, %get3A_0] : memref<2000x128xf32, #tpu.memory_space<vmem>>, vector<2000x128xf32>
    %get3A_2 = arith.constant 0 : index
    %get3A_3 = arith.constant 0 : index
    %get3A_4 = arith.constant 0 : index
    %get3A_5 = vector.load %arg2[%get3A_2, %get3A_3, %get3A_4] : memref<3x2000x128xf32, #tpu.memory_space<vmem>>, vector<3x2000x128xf32>
    %slice3A = vector.extract_strided_slice %get3A_5 {offsets = [0, 0, 0], sizes = [1, 2000, 128], strides = [1, 1, 1]} : vector<3x2000x128xf32> to vector<1x2000x128xf32>
    %squeeze3A = vector.shape_cast %slice3A : vector<1x2000x128xf32> to vector<2000x128xf32>
    %slice3A_6 = vector.extract_strided_slice %get3A_5 {offsets = [1, 0, 0], sizes = [1, 2000, 128], strides = [1, 1, 1]} : vector<3x2000x128xf32> to vector<1x2000x128xf32>
    %squeeze3A_7 = vector.shape_cast %slice3A_6 : vector<1x2000x128xf32> to vector<2000x128xf32>
    %add3A = arith.addf %squeeze3A, %squeeze3A_7 : vector<2000x128xf32>
    %slice3A_8 = vector.extract_strided_slice %get3A_5 {offsets = [2, 0, 0], sizes = [1, 2000, 128], strides = [1, 1, 1]} : vector<3x2000x128xf32> to vector<1x2000x128xf32>
    %squeeze3A_9 = vector.shape_cast %slice3A_8 : vector<1x2000x128xf32> to vector<2000x128xf32>
    %add3A_10 = arith.addf %add3A, %squeeze3A_9 : vector<2000x128xf32>
    %broadcast_in_dim3A = arith.constant 0.000000e+00 : f32
    %broadcast_in_dim3A_11 = vector.broadcast %broadcast_in_dim3A : f32 to vector<1x128xf32>
    %broadcast_in_dim3A_12 = arith.constant 0.000000e+00 : f32
    %broadcast_in_dim3A_13 = vector.broadcast %broadcast_in_dim3A_12 : f32 to vector<1x128xf32>
    %slice3A_14 = vector.extract_strided_slice %get3A_5 {offsets = [0, 0, 0], sizes = [1, 2000, 128], strides = [1, 1, 1]} : vector<3x2000x128xf32> to vector<1x2000x128xf32>
    %squeeze3A_15 = vector.shape_cast %slice3A_14 : vector<1x2000x128xf32> to vector<2000x128xf32>
    %add3A_16 = arith.addf %get3A_1, %squeeze3A_15 : vector<2000x128xf32>
    %slice3A_17 = vector.extract_strided_slice %get3A_5 {offsets = [0, 0, 0], sizes = [1, 2000, 128], strides = [1, 1, 1]} : vector<3x2000x128xf32> to vector<1x2000x128xf32>
    %squeeze3A_18 = vector.shape_cast %slice3A_17 : vector<1x2000x128xf32> to vector<2000x128xf32>
    %sub3A = arith.subf %add3A_10, %squeeze3A_18 : vector<2000x128xf32>
    %add3A_19 = arith.addf %get3A_1, %sub3A : vector<2000x128xf32>
    %get3A_20 = arith.constant 0 : index
    %get3A_21 = arith.constant 0 : index
    %get3A_22 = vector.load %arg3[%get3A_20, %get3A_21] : memref<128x128xf32, #tpu.memory_space<vmem>>, vector<128x128xf32>
    %dot_general3A = arith.constant dense<0.000000e+00> : vector<2000x128xf32>
    %dot_general3A_23 = tpu.matmul %add3A_16, %get3A_22, %dot_general3A {dimension_numbers = #tpu.dot_dimension_numbers<[1], [0], [0], [1], [0, 0, 1, 1], [], []>, transpose_lhs_hint = false} : vector<2000x128xf32>, vector<128x128xf32>, vector<2000x128xf32> -> vector<2000x128xf32>
    %get3A_24 = arith.constant 0 : index
    %get3A_25 = arith.constant 0 : index
    %get3A_26 = vector.load %arg7[%get3A_24, %get3A_25] : memref<1x128xf32, #tpu.memory_space<vmem>>, vector<1x128xf32>
    %add3A_27 = vector.broadcast %get3A_26 : vector<1x128xf32> to vector<2000x128xf32>
    %add3A_28 = arith.addf %dot_general3A_23, %add3A_27 : vector<2000x128xf32>
    %max3A = arith.constant 0.000000e+00 : f32
    %max3A_29 = vector.broadcast %max3A : f32 to vector<2000x128xf32>
    %max3A_30 = arith.maximumf %add3A_28, %max3A_29 : vector<2000x128xf32>
    %get3A_31 = arith.constant 0 : index
    %get3A_32 = arith.constant 0 : index
    %get3A_33 = vector.load %arg4[%get3A_31, %get3A_32] : memref<128x128xf32, #tpu.memory_space<vmem>>, vector<128x128xf32>
    %dot_general3A_34 = arith.constant dense<0.000000e+00> : vector<2000x128xf32>
    %dot_general3A_35 = tpu.matmul %max3A_30, %get3A_33, %dot_general3A_34 {dimension_numbers = #tpu.dot_dimension_numbers<[1], [0], [0], [1], [0, 0, 1, 1], [], []>, transpose_lhs_hint = false} : vector<2000x128xf32>, vector<128x128xf32>, vector<2000x128xf32> -> vector<2000x128xf32>
    %get3A_36 = arith.constant 0 : index
    %get3A_37 = arith.constant 0 : index
    %get3A_38 = vector.load %arg8[%get3A_36, %get3A_37] : memref<1x128xf32, #tpu.memory_space<vmem>>, vector<1x128xf32>
    %add3A_39 = vector.broadcast %get3A_38 : vector<1x128xf32> to vector<2000x128xf32>
    %add3A_40 = arith.addf %dot_general3A_35, %add3A_39 : vector<2000x128xf32>
    %get3A_41 = arith.constant 0 : index
    %get3A_42 = arith.constant 0 : index
    %get3A_43 = vector.load %arg5[%get3A_41, %get3A_42] : memref<128x128xf32, #tpu.memory_space<vmem>>, vector<128x128xf32>
    %dot_general3A_44 = arith.constant dense<0.000000e+00> : vector<2000x128xf32>
    %dot_general3A_45 = tpu.matmul %add3A_19, %get3A_43, %dot_general3A_44 {dimension_numbers = #tpu.dot_dimension_numbers<[1], [0], [0], [1], [0, 0, 1, 1], [], []>, transpose_lhs_hint = false} : vector<2000x128xf32>, vector<128x128xf32>, vector<2000x128xf32> -> vector<2000x128xf32>
    %get3A_46 = arith.constant 0 : index
    %get3A_47 = arith.constant 0 : index
    %get3A_48 = vector.load %arg9[%get3A_46, %get3A_47] : memref<1x128xf32, #tpu.memory_space<vmem>>, vector<1x128xf32>
    %add3A_49 = vector.broadcast %get3A_48 : vector<1x128xf32> to vector<2000x128xf32>
    %add3A_50 = arith.addf %dot_general3A_45, %add3A_49 : vector<2000x128xf32>
    %max3A_51 = arith.constant 0.000000e+00 : f32
    %max3A_52 = vector.broadcast %max3A_51 : f32 to vector<2000x128xf32>
    %max3A_53 = arith.maximumf %add3A_50, %max3A_52 : vector<2000x128xf32>
    %get3A_54 = arith.constant 0 : index
    %get3A_55 = arith.constant 0 : index
    %get3A_56 = vector.load %arg6[%get3A_54, %get3A_55] : memref<128x128xf32, #tpu.memory_space<vmem>>, vector<128x128xf32>
    %dot_general3A_57 = arith.constant dense<0.000000e+00> : vector<2000x128xf32>
    %dot_general3A_58 = tpu.matmul %max3A_53, %get3A_56, %dot_general3A_57 {dimension_numbers = #tpu.dot_dimension_numbers<[1], [0], [0], [1], [0, 0, 1, 1], [], []>, transpose_lhs_hint = false} : vector<2000x128xf32>, vector<128x128xf32>, vector<2000x128xf32> -> vector<2000x128xf32>
    %get3A_59 = arith.constant 0 : index
    %get3A_60 = arith.constant 0 : index
    %get3A_61 = vector.load %arg10[%get3A_59, %get3A_60] : memref<1x128xf32, #tpu.memory_space<vmem>>, vector<1x128xf32>
    %add3A_62 = vector.broadcast %get3A_61 : vector<1x128xf32> to vector<2000x128xf32>
    %add3A_63 = arith.addf %dot_general3A_58, %add3A_62 : vector<2000x128xf32>
    %add3A_64 = arith.addf %add3A_40, %add3A_63 : vector<2000x128xf32>
    %swap3A = arith.constant 0 : index
    %swap3A_65 = arith.constant 0 : index
    %swap3A_66 = arith.constant 0 : index
    %swap3A_67 = vector.load %arg11[%swap3A, %swap3A_65, %swap3A_66] : memref<3x2000x128xf32, #tpu.memory_space<vmem>>, vector<1x2000x128xf32>
    %swap3A_68 = vector.shape_cast %swap3A_67 : vector<1x2000x128xf32> to vector<2000x128xf32>
    %swap3A_69 = vector.shape_cast %add3A_64 : vector<2000x128xf32> to vector<1x2000x128xf32>
    tpu.vector_store %arg11[%swap3A, %swap3A_65, %swap3A_66], %swap3A_69 {strides = array<i32>} : memref<3x2000x128xf32, #tpu.memory_space<vmem>>, vector<1x2000x128xf32>,
    %reduce_sum3A = arith.constant dense<0.000000e+00> : vector<128xf32>
    %reduce_sum3A_70 = vector.multi_reduction <add>, %add3A_64, %reduce_sum3A [0] : vector<2000x128xf32> to vector<128xf32>
    %broadcast_in_dim3A_71 = vector.shape_cast %reduce_sum3A_70 : vector<128xf32> to vector<1x128xf32>
    %add3A_72 = arith.addf %broadcast_in_dim3A_11, %broadcast_in_dim3A_71 : vector<1x128xf32>
    %mul3A = arith.mulf %add3A_64, %add3A_64 : vector<2000x128xf32>
    %reduce_sum3A_73 = arith.constant dense<0.000000e+00> : vector<128xf32>
    %reduce_sum3A_74 = vector.multi_reduction <add>, %mul3A, %reduce_sum3A_73 [0] : vector<2000x128xf32> to vector<128xf32>
    %broadcast_in_dim3A_75 = vector.shape_cast %reduce_sum3A_74 : vector<128xf32> to vector<1x128xf32>
    %add3A_76 = arith.addf %broadcast_in_dim3A_13, %broadcast_in_dim3A_75 : vector<1x128xf32>
    %slice3A_77 = vector.extract_strided_slice %get3A_5 {offsets = [1, 0, 0], sizes = [1, 2000, 128], strides = [1, 1, 1]} : vector<3x2000x128xf32> to vector<1x2000x128xf32>
    %squeeze3A_78 = vector.shape_cast %slice3A_77 : vector<1x2000x128xf32> to vector<2000x128xf32>
    %add3A_79 = arith.addf %get3A_1, %squeeze3A_78 : vector<2000x128xf32>
    %slice3A_80 = vector.extract_strided_slice %get3A_5 {offsets = [1, 0, 0], sizes = [1, 2000, 128], strides = [1, 1, 1]} : vector<3x2000x128xf32> to vector<1x2000x128xf32>
    %squeeze3A_81 = vector.shape_cast %slice3A_80 : vector<1x2000x128xf32> to vector<2000x128xf32>
    %sub3A_82 = arith.subf %add3A_10, %squeeze3A_81 : vector<2000x128xf32>
    %add3A_83 = arith.addf %get3A_1, %sub3A_82 : vector<2000x128xf32>
    %get3A_84 = arith.constant 0 : index
    %get3A_85 = arith.constant 0 : index
    %get3A_86 = vector.load %arg3[%get3A_84, %get3A_85] : memref<128x128xf32, #tpu.memory_space<vmem>>, vector<128x128xf32>
    %dot_general3A_87 = arith.constant dense<0.000000e+00> : vector<2000x128xf32>
    %dot_general3A_88 = tpu.matmul %add3A_79, %get3A_86, %dot_general3A_87 {dimension_numbers = #tpu.dot_dimension_numbers<[1], [0], [0], [1], [0, 0, 1, 1], [], []>, transpose_lhs_hint = false} : vector<2000x128xf32>, vector<128x128xf32>, vector<2000x128xf32> -> vector<2000x128xf32>
    %get3A_89 = arith.constant 0 : index
    %get3A_90 = arith.constant 0 : index
    %get3A_91 = vector.load %arg7[%get3A_89, %get3A_90] : memref<1x128xf32, #tpu.memory_space<vmem>>, vector<1x128xf32>
    %add3A_92 = vector.broadcast %get3A_91 : vector<1x128xf32> to vector<2000x128xf32>
    %add3A_93 = arith.addf %dot_general3A_88, %add3A_92 : vector<2000x128xf32>
    %max3A_94 = arith.constant 0.000000e+00 : f32
    %max3A_95 = vector.broadcast %max3A_94 : f32 to vector<2000x128xf32>
    %max3A_96 = arith.maximumf %add3A_93, %max3A_95 : vector<2000x128xf32>
    %get3A_97 = arith.constant 0 : index
    %get3A_98 = arith.constant 0 : index
    %get3A_99 = vector.load %arg4[%get3A_97, %get3A_98] : memref<128x128xf32, #tpu.memory_space<vmem>>, vector<128x128xf32>
    %dot_general3A_100 = arith.constant dense<0.000000e+00> : vector<2000x128xf32>
    %dot_general3A_101 = tpu.matmul %max3A_96, %get3A_99, %dot_general3A_100 {dimension_numbers = #tpu.dot_dimension_numbers<[1], [0], [0], [1], [0, 0, 1, 1], [], []>, transpose_lhs_hint = false} : vector<2000x128xf32>, vector<128x128xf32>, vector<2000x128xf32> -> vector<2000x128xf32>
    %get3A_102 = arith.constant 0 : index
    %get3A_103 = arith.constant 0 : index
    %get3A_104 = vector.load %arg8[%get3A_102, %get3A_103] : memref<1x128xf32, #tpu.memory_space<vmem>>, vector<1x128xf32>
    %add3A_105 = vector.broadcast %get3A_104 : vector<1x128xf32> to vector<2000x128xf32>
    %add3A_106 = arith.addf %dot_general3A_101, %add3A_105 : vector<2000x128xf32>
    %get3A_107 = arith.constant 0 : index
    %get3A_108 = arith.constant 0 : index
    %get3A_109 = vector.load %arg5[%get3A_107, %get3A_108] : memref<128x128xf32, #tpu.memory_space<vmem>>, vector<128x128xf32>
    %dot_general3A_110 = arith.constant dense<0.000000e+00> : vector<2000x128xf32>
    %dot_general3A_111 = tpu.matmul %add3A_83, %get3A_109, %dot_general3A_110 {dimension_numbers = #tpu.dot_dimension_numbers<[1], [0], [0], [1], [0, 0, 1, 1], [], []>, transpose_lhs_hint = false} : vector<2000x128xf32>, vector<128x128xf32>, vector<2000x128xf32> -> vector<2000x128xf32>
    %get3A_112 = arith.constant 0 : index
    %get3A_113 = arith.constant 0 : index
    %get3A_114 = vector.load %arg9[%get3A_112, %get3A_113] : memref<1x128xf32, #tpu.memory_space<vmem>>, vector<1x128xf32>
    %add3A_115 = vector.broadcast %get3A_114 : vector<1x128xf32> to vector<2000x128xf32>
    %add3A_116 = arith.addf %dot_general3A_111, %add3A_115 : vector<2000x128xf32>
    %max3A_117 = arith.constant 0.000000e+00 : f32
    %max3A_118 = vector.broadcast %max3A_117 : f32 to vector<2000x128xf32>
    %max3A_119 = arith.maximumf %add3A_116, %max3A_118 : vector<2000x128xf32>
    %get3A_120 = arith.constant 0 : index
    %get3A_121 = arith.constant 0 : index
    %get3A_122 = vector.load %arg6[%get3A_120, %get3A_121] : memref<128x128xf32, #tpu.memory_space<vmem>>, vector<128x128xf32>
    %dot_general3A_123 = arith.constant dense<0.000000e+00> : vector<2000x128xf32>
    %dot_general3A_124 = tpu.matmul %max3A_119, %get3A_122, %dot_general3A_123 {dimension_numbers = #tpu.dot_dimension_numbers<[1], [0], [0], [1], [0, 0, 1, 1], [], []>, transpose_lhs_hint = false} : vector<2000x128xf32>, vector<128x128xf32>, vector<2000x128xf32> -> vector<2000x128xf32>
    %get3A_125 = arith.constant 0 : index
    %get3A_126 = arith.constant 0 : index
    %get3A_127 = vector.load %arg10[%get3A_125, %get3A_126] : memref<1x128xf32, #tpu.memory_space<vmem>>, vector<1x128xf32>
    %add3A_128 = vector.broadcast %get3A_127 : vector<1x128xf32> to vector<2000x128xf32>
    %add3A_129 = arith.addf %dot_general3A_124, %add3A_128 : vector<2000x128xf32>
    %add3A_130 = arith.addf %add3A_106, %add3A_129 : vector<2000x128xf32>
    %swap3A_131 = arith.constant 1 : index
    %swap3A_132 = arith.constant 0 : index
    %swap3A_133 = arith.constant 0 : index
    %swap3A_134 = vector.load %arg11[%swap3A_131, %swap3A_132, %swap3A_133] : memref<3x2000x128xf32, #tpu.memory_space<vmem>>, vector<1x2000x128xf32>
    %swap3A_135 = vector.shape_cast %swap3A_134 : vector<1x2000x128xf32> to vector<2000x128xf32>
    %swap3A_136 = vector.shape_cast %add3A_130 : vector<2000x128xf32> to vector<1x2000x128xf32>
    tpu.vector_store %arg11[%swap3A_131, %swap3A_132, %swap3A_133], %swap3A_136 {strides = array<i32>} : memref<3x2000x128xf32, #tpu.memory_space<vmem>>, vector<1x2000x128xf32>,
    %reduce_sum3A_137 = arith.constant dense<0.000000e+00> : vector<128xf32>
    %reduce_sum3A_138 = vector.multi_reduction <add>, %add3A_130, %reduce_sum3A_137 [0] : vector<2000x128xf32> to vector<128xf32>
    %broadcast_in_dim3A_139 = vector.shape_cast %reduce_sum3A_138 : vector<128xf32> to vector<1x128xf32>
    %add3A_140 = arith.addf %add3A_72, %broadcast_in_dim3A_139 : vector<1x128xf32>
    %mul3A_141 = arith.mulf %add3A_130, %add3A_130 : vector<2000x128xf32>
    %reduce_sum3A_142 = arith.constant dense<0.000000e+00> : vector<128xf32>
    %reduce_sum3A_143 = vector.multi_reduction <add>, %mul3A_141, %reduce_sum3A_142 [0] : vector<2000x128xf32> to vector<128xf32>
    %broadcast_in_dim3A_144 = vector.shape_cast %reduce_sum3A_143 : vector<128xf32> to vector<1x128xf32>
    %add3A_145 = arith.addf %add3A_76, %broadcast_in_dim3A_144 : vector<1x128xf32>
    %slice3A_146 = vector.extract_strided_slice %get3A_5 {offsets = [2, 0, 0], sizes = [1, 2000, 128], strides = [1, 1, 1]} : vector<3x2000x128xf32> to vector<1x2000x128xf32>
    %squeeze3A_147 = vector.shape_cast %slice3A_146 : vector<1x2000x128xf32> to vector<2000x128xf32>
    %add3A_148 = arith.addf %get3A_1, %squeeze3A_147 : vector<2000x128xf32>
    %slice3A_149 = vector.extract_strided_slice %get3A_5 {offsets = [2, 0, 0], sizes = [1, 2000, 128], strides = [1, 1, 1]} : vector<3x2000x128xf32> to vector<1x2000x128xf32>
    %squeeze3A_150 = vector.shape_cast %slice3A_149 : vector<1x2000x128xf32> to vector<2000x128xf32>
    %sub3A_151 = arith.subf %add3A_10, %squeeze3A_150 : vector<2000x128xf32>
    %add3A_152 = arith.addf %get3A_1, %sub3A_151 : vector<2000x128xf32>
    %get3A_153 = arith.constant 0 : index
    %get3A_154 = arith.constant 0 : index
    %get3A_155 = vector.load %arg3[%get3A_153, %get3A_154] : memref<128x128xf32, #tpu.memory_space<vmem>>, vector<128x128xf32>
    %dot_general3A_156 = arith.constant dense<0.000000e+00> : vector<2000x128xf32>
    %dot_general3A_157 = tpu.matmul %add3A_148, %get3A_155, %dot_general3A_156 {dimension_numbers = #tpu.dot_dimension_numbers<[1], [0], [0], [1], [0, 0, 1, 1], [], []>, transpose_lhs_hint = false} : vector<2000x128xf32>, vector<128x128xf32>, vector<2000x128xf32> -> vector<2000x128xf32>
    %get3A_158 = arith.constant 0 : index
    %get3A_159 = arith.constant 0 : index
    %get3A_160 = vector.load %arg7[%get3A_158, %get3A_159] : memref<1x128xf32, #tpu.memory_space<vmem>>, vector<1x128xf32>
    %add3A_161 = vector.broadcast %get3A_160 : vector<1x128xf32> to vector<2000x128xf32>
    %add3A_162 = arith.addf %dot_general3A_157, %add3A_161 : vector<2000x128xf32>
    %max3A_163 = arith.constant 0.000000e+00 : f32
    %max3A_164 = vector.broadcast %max3A_163 : f32 to vector<2000x128xf32>
    %max3A_165 = arith.maximumf %add3A_162, %max3A_164 : vector<2000x128xf32>
    %get3A_166 = arith.constant 0 : index
    %get3A_167 = arith.constant 0 : index
    %get3A_168 = vector.load %arg4[%get3A_166, %get3A_167] : memref<128x128xf32, #tpu.memory_space<vmem>>, vector<128x128xf32>
    %dot_general3A_169 = arith.constant dense<0.000000e+00> : vector<2000x128xf32>
    %dot_general3A_170 = tpu.matmul %max3A_165, %get3A_168, %dot_general3A_169 {dimension_numbers = #tpu.dot_dimension_numbers<[1], [0], [0], [1], [0, 0, 1, 1], [], []>, transpose_lhs_hint = false} : vector<2000x128xf32>, vector<128x128xf32>, vector<2000x128xf32> -> vector<2000x128xf32>
    %get3A_171 = arith.constant 0 : index
    %get3A_172 = arith.constant 0 : index
    %get3A_173 = vector.load %arg8[%get3A_171, %get3A_172] : memref<1x128xf32, #tpu.memory_space<vmem>>, vector<1x128xf32>
    %add3A_174 = vector.broadcast %get3A_173 : vector<1x128xf32> to vector<2000x128xf32>
    %add3A_175 = arith.addf %dot_general3A_170, %add3A_174 : vector<2000x128xf32>
    %get3A_176 = arith.constant 0 : index
    %get3A_177 = arith.constant 0 : index
    %get3A_178 = vector.load %arg5[%get3A_176, %get3A_177] : memref<128x128xf32, #tpu.memory_space<vmem>>, vector<128x128xf32>
    %dot_general3A_179 = arith.constant dense<0.000000e+00> : vector<2000x128xf32>
    %dot_general3A_180 = tpu.matmul %add3A_152, %get3A_178, %dot_general3A_179 {dimension_numbers = #tpu.dot_dimension_numbers<[1], [0], [0], [1], [0, 0, 1, 1], [], []>, transpose_lhs_hint = false} : vector<2000x128xf32>, vector<128x128xf32>, vector<2000x128xf32> -> vector<2000x128xf32>
    %get3A_181 = arith.constant 0 : index
    %get3A_182 = arith.constant 0 : index
    %get3A_183 = vector.load %arg9[%get3A_181, %get3A_182] : memref<1x128xf32, #tpu.memory_space<vmem>>, vector<1x128xf32>
    %add3A_184 = vector.broadcast %get3A_183 : vector<1x128xf32> to vector<2000x128xf32>
    %add3A_185 = arith.addf %dot_general3A_180, %add3A_184 : vector<2000x128xf32>
    %max3A_186 = arith.constant 0.000000e+00 : f32
    %max3A_187 = vector.broadcast %max3A_186 : f32 to vector<2000x128xf32>
    %max3A_188 = arith.maximumf %add3A_185, %max3A_187 : vector<2000x128xf32>
    %get3A_189 = arith.constant 0 : index
    %get3A_190 = arith.constant 0 : index
    %get3A_191 = vector.load %arg6[%get3A_189, %get3A_190] : memref<128x128xf32, #tpu.memory_space<vmem>>, vector<128x128xf32>
    %dot_general3A_192 = arith.constant dense<0.000000e+00> : vector<2000x128xf32>
    %dot_general3A_193 = tpu.matmul %max3A_188, %get3A_191, %dot_general3A_192 {dimension_numbers = #tpu.dot_dimension_numbers<[1], [0], [0], [1], [0, 0, 1, 1], [], []>, transpose_lhs_hint = false} : vector<2000x128xf32>, vector<128x128xf32>, vector<2000x128xf32> -> vector<2000x128xf32>
    %get3A_194 = arith.constant 0 : index
    %get3A_195 = arith.constant 0 : index
    %get3A_196 = vector.load %arg10[%get3A_194, %get3A_195] : memref<1x128xf32, #tpu.memory_space<vmem>>, vector<1x128xf32>
    %add3A_197 = vector.broadcast %get3A_196 : vector<1x128xf32> to vector<2000x128xf32>
    %add3A_198 = arith.addf %dot_general3A_193, %add3A_197 : vector<2000x128xf32>
    %add3A_199 = arith.addf %add3A_175, %add3A_198 : vector<2000x128xf32>
    %swap3A_200 = arith.constant 2 : index
    %swap3A_201 = arith.constant 0 : index
    %swap3A_202 = arith.constant 0 : index
    %swap3A_203 = vector.load %arg11[%swap3A_200, %swap3A_201, %swap3A_202] : memref<3x2000x128xf32, #tpu.memory_space<vmem>>, vector<1x2000x128xf32>
    %swap3A_204 = vector.shape_cast %swap3A_203 : vector<1x2000x128xf32> to vector<2000x128xf32>
    %swap3A_205 = vector.shape_cast %add3A_199 : vector<2000x128xf32> to vector<1x2000x128xf32>
    tpu.vector_store %arg11[%swap3A_200, %swap3A_201, %swap3A_202], %swap3A_205 {strides = array<i32>} : memref<3x2000x128xf32, #tpu.memory_space<vmem>>, vector<1x2000x128xf32>,
    %reduce_sum3A_206 = arith.constant dense<0.000000e+00> : vector<128xf32>
    %reduce_sum3A_207 = vector.multi_reduction <add>, %add3A_199, %reduce_sum3A_206 [0] : vector<2000x128xf32> to vector<128xf32>
    %broadcast_in_dim3A_208 = vector.shape_cast %reduce_sum3A_207 : vector<128xf32> to vector<1x128xf32>
    %add3A_209 = arith.addf %add3A_140, %broadcast_in_dim3A_208 : vector<1x128xf32>
    %mul3A_210 = arith.mulf %add3A_199, %add3A_199 : vector<2000x128xf32>
    %reduce_sum3A_211 = arith.constant dense<0.000000e+00> : vector<128xf32>
    %reduce_sum3A_212 = vector.multi_reduction <add>, %mul3A_210, %reduce_sum3A_211 [0] : vector<2000x128xf32> to vector<128xf32>
    %broadcast_in_dim3A_213 = vector.shape_cast %reduce_sum3A_212 : vector<128xf32> to vector<1x128xf32>
    %add3A_214 = arith.addf %add3A_145, %broadcast_in_dim3A_213 : vector<1x128xf32>
    %eq3A = arith.constant 0 : i32
    %eq3A_215 = arith.cmpi eq, %arg0, %eq3A : i32
    %convert_element_type3A = arith.extui %eq3A_215 : i1 to i32
    %cond3A = arith.constant 0 : i32
    %cond3A_216 = arith.cmpi ne, %convert_element_type3A, %cond3A : i32
    scf.if %cond3A_216 {
      %swap3A_221 = arith.constant 0 : index
      %swap3A_222 = arith.constant 0 : index
      %swap3A_223 = vector.load %arg12[%swap3A_221, %swap3A_222] : memref<1x128xf32, #tpu.memory_space<vmem>>, vector<1x128xf32>
      tpu.vector_store %arg12[%swap3A_221, %swap3A_222], %add3A_209 {strides = array<i32>} : memref<1x128xf32, #tpu.memory_space<vmem>>, vector<1x128xf32>,
      %swap3A_224 = arith.constant 0 : index
      %swap3A_225 = arith.constant 0 : index
      %swap3A_226 = vector.load %arg13[%swap3A_224, %swap3A_225] : memref<1x128xf32, #tpu.memory_space<vmem>>, vector<1x128xf32>
      tpu.vector_store %arg13[%swap3A_224, %swap3A_225], %add3A_214 {strides = array<i32>} : memref<1x128xf32, #tpu.memory_space<vmem>>, vector<1x128xf32>,
    } else {
    }
    %gt3A = arith.constant 0 : i32
    %gt3A_217 = arith.cmpi sgt, %arg0, %gt3A : i32
    %convert_element_type3A_218 = arith.extui %gt3A_217 : i1 to i32
    %cond3A_219 = arith.constant 0 : i32
    %cond3A_220 = arith.cmpi ne, %convert_element_type3A_218, %cond3A_219 : i32
    scf.if %cond3A_220 {
      %get3A_221 = arith.constant 0 : index
      %get3A_222 = arith.constant 0 : index
      %get3A_223 = vector.load %arg12[%get3A_221, %get3A_222] : memref<1x128xf32, #tpu.memory_space<vmem>>, vector<1x128xf32>
      %add3A_224 = arith.addf %get3A_223, %add3A_209 : vector<1x128xf32>
      %swap3A_225 = arith.constant 0 : index
      %swap3A_226 = arith.constant 0 : index
      %swap3A_227 = vector.load %arg12[%swap3A_225, %swap3A_226] : memref<1x128xf32, #tpu.memory_space<vmem>>, vector<1x128xf32>
      tpu.vector_store %arg12[%swap3A_225, %swap3A_226], %add3A_224 {strides = array<i32>} : memref<1x128xf32, #tpu.memory_space<vmem>>, vector<1x128xf32>,
      %get3A_228 = arith.constant 0 : index
      %get3A_229 = arith.constant 0 : index
      %get3A_230 = vector.load %arg13[%get3A_228, %get3A_229] : memref<1x128xf32, #tpu.memory_space<vmem>>, vector<1x128xf32>
      %add3A_231 = arith.addf %get3A_230, %add3A_214 : vector<1x128xf32>
      %swap3A_232 = arith.constant 0 : index
      %swap3A_233 = arith.constant 0 : index
      %swap3A_234 = vector.load %arg13[%swap3A_232, %swap3A_233] : memref<1x128xf32, #tpu.memory_space<vmem>>, vector<1x128xf32>
      tpu.vector_store %arg13[%swap3A_232, %swap3A_233], %add3A_231 {strides = array<i32>} : memref<1x128xf32, #tpu.memory_space<vmem>>, vector<1x128xf32>,
    } else {
    }
    return
  }
  func.func @transform_0(%arg0: i32) -> (i32, i32) {
    %c0_i32 = arith.constant 0 : i32
    %c0_i32_0 = arith.constant 0 : i32
    return %arg0, %c0_i32 : i32, i32
  }
  func.func @transform_1(%arg0: i32) -> (i32, i32, i32) {
    %c0_i32 = arith.constant 0 : i32
    %c0_i32_0 = arith.constant 0 : i32
    %c0_i32_1 = arith.constant 0 : i32
    return %c0_i32, %arg0, %c0_i32_0 : i32, i32, i32
  }
  func.func @transform_2(%arg0: i32) -> (i32, i32) {
    %c0_i32 = arith.constant 0 : i32
    %c0_i32_0 = arith.constant 0 : i32
    %c0_i32_1 = arith.constant 0 : i32
    return %c0_i32, %c0_i32_0 : i32, i32
  }
  func.func @transform_3(%arg0: i32) -> (i32, i32) {
    %c0_i32 = arith.constant 0 : i32
    %c0_i32_0 = arith.constant 0 : i32
    %c0_i32_1 = arith.constant 0 : i32
    return %c0_i32, %c0_i32_0 : i32, i32
  }
  func.func @transform_4(%arg0: i32) -> (i32, i32) {
    %c0_i32 = arith.constant 0 : i32
    %c0_i32_0 = arith.constant 0 : i32
    %c0_i32_1 = arith.constant 0 : i32
    return %c0_i32, %c0_i32_0 : i32, i32
  }
  func.func @transform_5(%arg0: i32) -> (i32, i32) {
    %c0_i32 = arith.constant 0 : i32
    %c0_i32_0 = arith.constant 0 : i32
    %c0_i32_1 = arith.constant 0 : i32
    return %c0_i32, %c0_i32_0 : i32, i32
  }
  func.func @transform_6(%arg0: i32) -> (i32, i32) {
    %c0_i32 = arith.constant 0 : i32
    %c0_i32_0 = arith.constant 0 : i32
    %c0_i32_1 = arith.constant 0 : i32
    return %c0_i32, %c0_i32_0 : i32, i32
  }
  func.func @transform_7(%arg0: i32) -> (i32, i32) {
    %c0_i32 = arith.constant 0 : i32
    %c0_i32_0 = arith.constant 0 : i32
    %c0_i32_1 = arith.constant 0 : i32
    return %c0_i32, %c0_i32_0 : i32, i32
  }
  func.func @transform_8(%arg0: i32) -> (i32, i32) {
    %c0_i32 = arith.constant 0 : i32
    %c0_i32_0 = arith.constant 0 : i32
    %c0_i32_1 = arith.constant 0 : i32
    return %c0_i32, %c0_i32_0 : i32, i32
  }
  func.func @transform_9(%arg0: i32) -> (i32, i32) {
    %c0_i32 = arith.constant 0 : i32
    %c0_i32_0 = arith.constant 0 : i32
    %c0_i32_1 = arith.constant 0 : i32
    return %c0_i32, %c0_i32_0 : i32, i32
  }
  func.func @transform_10(%arg0: i32) -> (i32, i32, i32) {
    %c0_i32 = arith.constant 0 : i32
    %c0_i32_0 = arith.constant 0 : i32
    %c0_i32_1 = arith.constant 0 : i32
    return %c0_i32, %arg0, %c0_i32_0 : i32, i32, i32
  }
  func.func @transform_11(%arg0: i32) -> (i32, i32) {
    %c0_i32 = arith.constant 0 : i32
    %c0_i32_0 = arith.constant 0 : i32
    %c0_i32_1 = arith.constant 0 : i32
    return %c0_i32, %c0_i32_0 : i32, i32
  }
  func.func @transform_12(%arg0: i32) -> (i32, i32) {
    %c0_i32 = arith.constant 0 : i32
    %c0_i32_0 = arith.constant 0 : i32
    %c0_i32_1 = arith.constant 0 : i32
    return %c0_i32, %c0_i32_0 : i32, i32
  }
}

</mosaic_0001>

<sc_bundles>
// kernel: kernel.5.cloned.1.call-start
scs
__scs_entry_jumppad:
0x0: {  	(pc) =	sbr.rel $0x88, $3  }
0x1: {  	(tag) =	ssettag $0x0;
	lr =	simm.s32 $0x1  }
0x2: {  	[smem:$0x3F94] =	sst lr;
	_ =	strace $0xD0000000  }
0x3: {  	_ = 	snop  }
0x4: {  	_ = 	snop  }
0x5: {  	_ = 	snop  }
0x6: {  	_ = 	snop  }
0x7: {  	_ = 	snop  }
__scs_overlays_trampoline_lowered:
0x8: {  	[smem:$0x3FA3] =	sst s0  }
0x9: {  	[smem:$0x3FA4] =	sst s1  }
0xa: {  	[smem:$0x3FA5] =	sst s2  }
0xb: {  	[smem:$0x3FA6] =	sst s3  }
0xc: {  	[smem:$0x3FA7] =	sst s4  }
0xd: {  	[smem:$0x3FA8] =	sst s5  }
0xe: {  	[smem:$0x3FA9] =	sst s6  }
0xf: {  	[smem:$0x3FAA] =	sst s7  }
0x10: {  	[smem:$0x3FAB] =	sst s8  }
0x11: {  	[smem:$0x3FAC] =	sst s9;
	s0 =	simm.s32 @!p0 $0x0  }
0x12: {  	s1 =	sld [smem:$0x3F92];
	s0 =	simm.s32 @p0 $0x1  }
0x13: {  	[smem:$0x3FAD] =	sst s0;
	s0 =	simm.s32 @!p1 $0x0  }
0x14: {  	s2 =	sld [smem:$0x3F91];
	s0 =	simm.s32 @p1 $0x1  }
0x15: {  	[smem:$0x3FAE] =	sst s0;
	s0 =	simm.s32 @!p2 $0x0  }
0x16: {  	s3 =	sld [smem:$0x3FDB];
	s0 =	simm.s32 @p2 $0x1  }
0x17: {  	s4 =	simm.s32 $0x1BF5;
	[smem:$0x3FB0] =	sst s0  }
0x18: {  	s0 =	sld [smem:$0x3F93];
	_ =	swait.ge [sflag:s4], $0x0  }
0x19: {  	s7 =	sld [smem:$0x3F94]  }
0x1a: {  	s8 =	sadd.s32 $0xFFFFE003, lr  }
0x1b: {  	s9 =	sadd.s32 $0xFFFFFEF7, lr;
	s5 =	simm.s32 $0xFFFFFFFF;
	p2 =	slt.u32 s8, $0xFFFFF086  }
0x1c: {  	p1 =	slt.u32 s9, $0xF7A;
	s5 =	simm.s32 @!p2 $0x0  }
0x1d: {  	s5 =	simm.s32 @p1 $0x1;
	p0 =	seq.s32 s7, s2  }
0x1e: {  	s7 =	smul.u32 @!p0 $0xF7A, s2;
	p2 =	seq.s32 @!p0 s5, $0x0  }
0x1f: {  	s9 =	smul.u32 $0xF7A, s1;
	s8 =	simm.s32 @!p0 $0x1BF5;
	p2 =	por !p2, p0  }
0x20: {  	[sflag:s8] =	ssyncset.s32 @!p0 $0xFFFFF086;
	s6 =	sadd.s32 @!p0 s3, s7;
	s7 =	simm.s32 @!p0 $0x108  }
0x21: {  	s3 =	sadd.s32 s3, s9;
	s6 =	sadd.s32 @!p0 $0x88, s6;
	s7 =	simm.s32 @p2 $0x1082  }
0x22: {  	[simem:s7], [sflag:s8] =	dma.local @!p0 [hbm:s6], $0xF7A  }
0x23: {  	s9 =	sor.u32 $0xD0000000, s2;
	s6 =	simm.s32 $0x108;
	_ =	swait.ge @!p0 [sflag:s8], $0x0  }
0x24: {  	s3 =	sadd.s32 $0x88, s3;
	s6 =	simm.s32 @!p1 $0x1082;
	[sflag:s4] =	ssyncset.s32 $0xFFFFF086  }
0x25: {  	[simem:s6], [sflag:s4] =	dma.local [hbm:s3], $0xF7A  }
0x26: {  	[smem:$0x3F94] =	sst s1;
	(tag) =	ssettag s2;
	_ =	strace s9  }
0x27: {  	s1 =	sld [smem:$0x3FA4]  }
0x28: {  	s2 =	sld [smem:$0x3FA5]  }
0x29: {  	s4 =	sld [smem:$0x3FA7]  }
0x2a: {  	p0 =	seq.s32 s5, $0x0;
	s5 =	sld [smem:$0x3FA8]  }
0x2b: {  	s6 =	sld [smem:$0x3FA9]  }
0x2c: {  	s7 =	sld [smem:$0x3FAA]  }
0x2d: {  	s3 =	simm.s32 $0x108;
	s8 =	sld [smem:$0x3FAB]  }
0x2e: {  	s3 =	simm.s32 @!p0 $0x1082;
	s9 =	sld [smem:$0x3FAC]  }
0x2f: {  	lr =	sadd.s32 s0, s3;
	s0 =	sld [smem:$0x3FA3]  }
0x30: {  	s3 =	sld [smem:$0x3FA6]  }
0x31: {  	[smem:$0x3FAF] =	sst s10  }
0x32: {  	s10 =	sld [smem:$0x3FAD];
	_ =	sdelay $0x3  }
0x33: {  	p0 =	seq.s32 s10, $0x1;
	s10 =	sld [smem:$0x3FAF];
	_ =	sdelay $0x3  }
0x34: {  	[smem:$0x3FAF] =	sst s10  }
0x35: {  	s10 =	sld [smem:$0x3FAE];
	_ =	sdelay $0x3  }
0x36: {  	p1 =	seq.s32 s10, $0x1;
	s10 =	sld [smem:$0x3FAF];
	_ =	sdelay $0x3  }
0x37: {  	[smem:$0x3FAF] =	sst s10  }
0x38: {  	s10 =	sld [smem:$0x3FB0]  }
0x39: {  	_ = 	snop;
	(pc) =	sbr.ind lr, $3  }
0x3a: {  	_ = 	snop  }
0x3b: {  	_ = 	snop  }
0x3c: {  	p2 =	seq.s32 s10, $0x1;
	s10 =	sld [smem:$0x3FAF]  }
0x3d: {  	_ =	shalt  }
0x3e: {  	_ =	shalt  }
0x3f: {  	_ =	shalt  }
0x40: {  	_ =	shalt  }
0x41: {  	_ =	shalt  }
0x42: {  	_ =	shalt  }
0x43: {  	_ =	shalt  }
0x44: {  	_ =	shalt  }
0x45: {  	_ =	shalt  }
0x46: {  	_ =	shalt  }
0x47: {  	_ =	shalt  }
0x48: {  	_ =	shalt  }
0x49: {  	_ =	shalt  }
0x4a: {  	_ =	shalt  }
0x4b: {  	_ =	shalt  }
0x4c: {  	_ =	shalt  }
0x4d: {  	_ =	shalt  }
0x4e: {  	_ =	shalt  }
0x4f: {  	_ =	shalt  }
0x50: {  	_ =	shalt  }
0x51: {  	_ =	shalt  }
0x52: {  	_ =	shalt  }
0x53: {  	_ =	shalt  }
0x54: {  	_ =	shalt  }
0x55: {  	_ =	shalt  }
0x56: {  	_ =	shalt  }
0x57: {  	_ =	shalt  }
0x58: {  	_ =	shalt  }
0x59: {  	_ =	shalt  }
0x5a: {  	_ =	shalt  }
0x5b: {  	_ =	shalt  }
0x5c: {  	_ =	shalt  }
0x5d: {  	_ =	shalt  }
0x5e: {  	_ =	shalt  }
0x5f: {  	_ =	shalt  }
0x60: {  	_ =	shalt  }
0x61: {  	_ =	shalt  }
0x62: {  	_ =	shalt  }
0x63: {  	_ =	shalt  }
0x64: {  	_ =	shalt  }
0x65: {  	_ =	shalt  }
0x66: {  	_ =	shalt  }
0x67: {  	_ =	shalt  }
0x68: {  	_ =	shalt  }
0x69: {  	_ =	shalt  }
0x6a: {  	_ =	shalt  }
0x6b: {  	_ =	shalt  }
0x6c: {  	_ =	shalt  }
0x6d: {  	_ =	shalt  }
0x6e: {  	_ =	shalt  }
0x6f: {  	_ =	shalt  }
0x70: {  	_ =	shalt  }
0x71: {  	_ =	shalt  }
0x72: {  	_ =	shalt  }
0x73: {  	_ =	shalt  }
0x74: {  	_ =	shalt  }
0x75: {  	_ =	shalt  }
0x76: {  	_ =	shalt  }
0x77: {  	_ =	shalt  }
0x78: {  	_ =	shalt  }
0x79: {  	_ =	shalt  }
0x7a: {  	_ =	shalt  }
0x7b: {  	_ =	shalt  }
0x7c: {  	_ =	shalt  }
0x7d: {  	_ =	shalt  }
0x7e: {  	_ =	shalt  }
0x7f: {  	_ =	shalt  }
0x80: {  	_ =	shalt  }
0x81: {  	_ =	shalt  }
0x82: {  	_ =	shalt  }
0x83: {  	_ =	shalt  }
0x84: {  	_ =	shalt  }
0x85: {  	_ =	shalt  }
0x86: {  	_ =	shalt  }
0x87: {  	_ =	shalt  }
.Lfunc_end0:
.L_simem_size_0:
called_computation_lowered:
.L_overlay_start_0:
0x88: {  	s2 =	sld [smem:$0x3FD9]  }
0x89: {  	s3 =	sld [smem:$0x3FFE];
	_ =	sdelay $0x1  }
0x8a: {  	s1 =	srdreg.scid  }
0x8b: {  	s0 =	sand.u32 $0x1, s1  }
0x8c: {  	s17 =	sshll.u32 s0, $0xA;
	s2 =	sadd.s32 s3, s2  }
0x8d: {  	s2 =	sadd.s32 s2, s17  }
0x8e: {  	[smem:$0x3FBB] =	sst s2  }
0x8f: {  	_ = 	snop  }
0x90: {  	s2 =	sld [smem:$0x3FC9]  }
0x91: {  	s18 =	sld [smem:$0x3FD0];
	(tm) =	ssettm $0x1  }
0x92: {  	s4 =	sld [smem:$0x3FFB];
	_ =	sdelay $0x3  }
0x93: {  	_ =	strace s4  }
0x94: {  	s4 =	sld [smem:$0x3FFC];
	_ =	sdelay $0x3  }
0x95: {  	_ =	strace s4  }
0x96: {  	s4 =	sld [smem:$0x3FFD];
	_ =	sdelay $0x3  }
0x97: {  	_ =	strace s4  }
0x98: {  	_ =	strace $0x8FFFFFFF  }
0x99: {  	s19 =	sld [smem:$0x3FDB];
	_ =	sdelay $0x1  }
0x9a: {  	s5 =	simm.s32 $_scs_section_size  }
0x9b: {  	s6 =	simm.s32 $_size__tile_overlayer_lowered;
	s7 =	simm.s32 $_tile_overlayer_lowered  }
0x9c: {  	s22 =	simm.s32 $0x1BFF;
	s21 =	sshll.u32 s7, $0x1;
	s4 =	sadd.s32 s5, s19  }
0x9d: {  	s8 =	simm.s32 $0x0;
	s20 =	sshll.u32 s6, $0x1;
	s6 =	sadd.s32 s21, s4  }
0x9e: {  	[timem:s8], [sflag:s22] =	dma.local [hbm:s6], s20  }
0x9f: {  	_ =	swait.ge [sflag:s22], s20  }
0xa0: {  	s5 =	ssub.s32 $0x0, s20;
	[sflag:s22] =	ssyncset.done $0x0  }
0xa1: {  	[sflag:s22] =	ssyncadd.s32 s5;
	_ =	sdelay $0x1  }
0xa2: {  	s23 =	simm.s32 $0x1B8B  }
0xa3: {  	_ =	swait.ge [sflag:s23], $0x1  }
0xa4: {  	[sflag:s23] =	ssyncset.done $0x0  }
0xa5: {  	s25 =	simm.s32 $0x1B8E;
	s24 =	sld [smem:$0x3FFE];
	[sflag:s23] =	ssyncadd.s32 $0xFFFFFFFF  }
0xa6: {  	s26 =	simm.s32 $execute0_lowered;
	[smem:$0x3FD2] =	sst s25  }
0xa7: {  	s6 =	sshll.u32 s26, $0x1;
	_ =	strace $0x80000046;
	[dreg:$0x1] =	wrdreg $0xFFFFFFFF  }
0xa8: {  	s28 =	simm.s32 $_size_execute0_lowered;
	s4 =	sadd.s32 s4, s6;
	[dreg:$0x0] =	wrdreg $0x0  }
0xa9: {  	s6 =	sshll.u32 s28, $0x1;
	[dreg:$0x2] =	wrdreg s4  }
0xaa: {  	[dreg:$0x3] =	wrdreg s6  }
0xab: {  	[dreg:$0x4] =	wrdreg $0xC0  }
0xac: {  	_ =	task [dreg:s8], $0x5FFFF  }
0xad: {  	[dreg:$0x1] =	wrdreg $0xFFFFFFFF  }
0xae: {  	[dreg:$0x0] =	wrdreg $0x60  }
0xaf: {  	[dreg:$0x2] =	wrdreg s24  }
0xb0: {  	[dreg:$0x3] =	wrdreg s2  }
0xb1: {  	[dreg:$0x4] =	wrdreg s18  }
0xb2: {  	[dreg:$0x5] =	wrdreg $0xFA000  }
0xb3: {  	[dreg:$0x6] =	wrdreg $0x9  }
0xb4: {  	_ =	task.clear_ibuf [dreg:s8], $0x7FFFF;
	_ =	strace $0x90000046  }
0xb5: {  	s29 =	simm.s32 $0x9;
	_ =	strace $0x80000048  }
0xb6: {  	_ =	swait.ge [sflag:s29], $0x1  }
0xb7: {  	[sflag:s29] =	ssyncadd.s32 $0xFFFFFFFF  }
0xb8: {  	_ =	strace $0x90000048  }
0xb9: {  	_ =	sfence  }
0xba: {  	s30 =	sld [smem:$0x0];
	_ =	sdelay $0x2  }
0xbb: {  	s31 =	sshll.u32 s1, $0xD;
	s1 =	sshrl.u32 s1, $0x2  }
0xbc: {  	s3 =	sand.u32 $0x4000, s31;
	s1 =	sadd.s32 s1, s30  }
0xbd: {  	s0 =	sor.u32 s3, s0;
	s1 =	sshll.u32 s1, $0x11  }
0xbe: {  	s0 =	sor.u32 s1, s0  }
0xbf: {  	s0 =	sadd.s32 $0x8F2B, s0  }
0xc0: {  	[sflag:s0] =	ssyncadd.remote.s32 $0x1  }
0xc1: {  	_ =	sfence.sel $0xFFFF  }
0xc2: {  	[dreg:$0x0] =	wrdreg $0xFFFFFFFF;
	(pc) =	sbr.abs _section_cstart, $3  }
0xc3: {  	[dreg:$0x1] =	wrdreg $0xFFFFFFFF  }
0xc4: {  	_ =	task.clear_ibuf [dreg:s8], $0x2FFFF;
	_ =	strace $0x9FFFFFFF  }
0xc5: {  	(tm) =	ssettm $0x7FFFFFFF  }
tec
execute0_lowered:
.L_overlay_start_1:
0x0: {  	(tag) =	ssettag $0x1  }
0x1: {  	s2 =	rddreg [dreg:$0x0]  }
0x2: {  	s1 =	rddreg [dreg:$0x1]  }
0x3: {  	s0 =	srdreg.scid;
	s6 =	rddreg [dreg:$0x2]  }
0x4: {  	s11 =	stileid.u32;
	s3 =	rddreg [dreg:$0x3];
	s8 =	simm.s32 $0x0  }
0x5: {  	s28 =	simm.s32 $0x3;
	s29 =	simm.s32 $0x9D00;
	s7 =	smul.u32 $0x9E0, s11  }
0x6: {  	s30 =	simm.s32 $0x9D80;
	s31 =	simm.s32 $0x0;
	s17 =	smul.u32 $0x3C000, s11  }
0x7: {  	s0 =	sand.u32 $0x1, s0;
	[smem:$0x7FF] =	sst s8;
	s13 =	smul.u32 $0x3AC00, s11  }
0x8: {  	s24 =	sadd.s32 $0x6E280, s6;
	s14 =	sadd.s32 $0xDC500, s3;
	p0 =	seq.s32 s11, $0xF  }
0x9: {  	s4 =	sshll.u32 s0, $0x5;
	_ =	strace $0x80000047;
	s18 =	ssub.s32 $0x2, s0  }
0xa: {  	s5 =	sor.u32 s11, s4;
	s19 =	sshrl.u32 s18, $0x1;
	s8 =	sshrl.u32 s17, $0x2  }
0xb: {  	s21 =	sor.u32 s4, s13;
	s22 =	sshrl.u32 s13, $0x2;
	s17 =	sor.u32 $0x2, s0  }
0xc: {  	s0 =	sshll.u32 s0, $0x2;
	s5 =	smul.u32 $0x9E0, s5;
	s18 =	ssub.s32 s18, s19  }
0xd: {  	s12 =	sadd.s32 s22, s3;
	s23 =	sshll.u32 s17, $0x5;
	s26 =	sshll.u32 s17, $0x2  }
0xe: {  	s22 =	simm.s32 $0x80;
	s17 =	sadd.s32 s26, s24;
	s18 =	smax.u32 s18, $0x1  }
0xf: {  	s26 =	simm.s32 $0x2;
	s15 =	sadd.s32 s5, s2;
	s2 =	sadd.s32 s7, s2  }
0x10: {  	s5 =	sadd.s32 s8, s3;
	s2 =	sadd.s32 $0x29800, s2;
	s20 =	sadd.s32 $0x2000, s15  }
0x11: {  	s8 =	sadd.s32 $0x3C00, s5;
	s9 =	sadd.s32 $0x7800, s5;
	s10 =	sadd.s32 $0xB400, s5  }
0x12: {  	s15 =	sadd.s32 $0xBE00, s15;
	[dreg:$0x5] =	wrdreg s2;
	s2 =	sshrl.u32 s21, $0x3  }
0x13: {  	[dreg:$0x6] =	wrdreg s20;
	s20 =	simm.s32 $0x1;
	s2 =	sadd.s32 s6, s2  }
0x14: {  	s21 =	simm.s32 $0x4;
	[dreg:$0x7] =	wrdreg s2;
	s2 =	sor.u32 s13, s23  }
0x15: {  	s13 =	sadd.s32 s0, s24;
	s23 =	simm.s32 $0x9E00;
	s25 =	sshrl.u32 s2, $0x3  }
0x16: {  	v0 =	vimm.f32 $0.0e+00;
	s24 =	simm.s32 $0xAE00;
	s16 =	sadd.s32 s6, s25;
	s25 =	simm.s32 $0xBE00  }
.LBB2_1:
0x17: {  	s0 =	simm.s32 $0x0;
	s2 =	rddreg [dreg:$0x5];
	s4 =	simm.s32 $0x4F00  }
0x18: {  	[tilespmem:s4], [sflag:$0x1] =	stream.linear.gather [hbm4b:s2+s0], $0x4F00, $0x38;
	[tilespmem:$0x1EA00] =	vst v63  }
0x19: {  	s0 =	simm.s32 $0x80;
	s2 =	simm.s32 $0x0  }
.LBB2_2:
0x1a: {  	p1 =	sne.s32 s0, $0xEF80;
	[tilespmem:s2+$0xBE00] =	vst v0;
	s4 =	smov.u32 s0;
	s0 =	sadd.s32 $0x80, s0  }
.Ltmp0:
0x1b: {  	[tilespmem:s2+$0xBE10] =	vst v0;
	(pc) =	sbr.rel @p1 .LBB2_2-.Ltmp0, $2  }
0x1c: {  	_ =	sdelay $0x2  }
0x1d: {  	s2 =	sshra.s32 s4, $0x2  }
0x1e: {  	[tilespmem:s2+$0xBE00] =	vst v0  }
0x1f: {  	[tilespmem:s2+$0xBE10] =	vst v0  }
0x20: {  	_ =	swait.ge [sflag:s20], $0x4F00  }
0x21: {  	[sflag:s20] =	ssyncset.done $0x0  }
0x22: {  	s0 =	simm.s32 $0x0;
	s6 =	rddreg [dreg:$0x6];
	[sflag:s20] =	ssyncadd.s32 $0xFFFFB100  }
0x23: {  	[tilespmem:s0], [sflag:$0x4] =	stream.linear.gather [hbm4b:s6+s0], $0x4F00, $0x38;
	[tilespmem:$0x1EA00] =	vst v63  }
0x24: {  	_ =	swait.ge [sflag:s21], $0x4F00  }
0x25: {  	[sflag:s21] =	ssyncset.done $0x0  }
0x26: {  	[sflag:s21] =	ssyncadd.s32 $0xFFFFB100  }
0x27: {  	[tilespmem:s23], [sflag:$0x2] =	stream.indirect.gather [hbm4b:s1+s22], $0x20, s0, s22, $0xb8;
	[tilespmem:$0x1EA00] =	vst v63  }
0x28: {  	_ = 	snop  }
0x29: {  	[tilespmem:s24], [sflag:$0x3] =	stream.indirect.gather [hbm4b:s1+s22], $0x20, s22, s22, $0xb8;
	[tilespmem:$0x1EA00] =	vst v63  }
0x2a: {  	_ = 	snop  }
0x2b: {  	[spmem:s5] =	stream.linear.scatter [tilespmem:s25], [sflag:$0x4], $0x3C00, $0x38;
	[tilespmem:$0x1EA00] =	vst v63  }
0x2c: {  	_ =	swait.ge [sflag:s21], $0x3C00  }
0x2d: {  	[sflag:s21] =	ssyncset.done $0x0  }
0x2e: {  	[sflag:s21] =	ssyncadd.s32 $0xFFFFC400  }
0x2f: {  	[spmem:s8] =	stream.linear.scatter [tilespmem:s25], [sflag:$0x4], $0x3C00, $0x38;
	[tilespmem:$0x1EA00] =	vst v63  }
0x30: {  	_ =	swait.ge [sflag:s21], $0x3C00  }
0x31: {  	[sflag:s21] =	ssyncset.done $0x0  }
0x32: {  	[sflag:s21] =	ssyncadd.s32 $0xFFFFC400  }
0x33: {  	[spmem:s9] =	stream.linear.scatter [tilespmem:s25], [sflag:$0x4], $0x3C00, $0x38;
	[tilespmem:$0x1EA00] =	vst v63  }
0x34: {  	_ =	swait.ge [sflag:s21], $0x3C00  }
0x35: {  	[sflag:s21] =	ssyncset.done $0x0  }
0x36: {  	[sflag:s21] =	ssyncadd.s32 $0xFFFFC400  }
0x37: {  	[spmem:s10] =	stream.linear.scatter [tilespmem:s25], [sflag:$0x4], $0x3C00, $0x38;
	[tilespmem:$0x1EA00] =	vst v63  }
0x38: {  	_ =	swait.ge [sflag:s21], $0x3C00  }
0x39: {  	[sflag:s21] =	ssyncset.done $0x0  }
0x3a: {  	[sflag:s21] =	ssyncadd.s32 $0xFFFFC400  }
0x3b: {  	[bflag:$0x0] =	sbarrier.arrive $0xFFFF  }
0x3c: {  	_ =	swait.ge [sflag:s26], $0x1000  }
0x3d: {  	[sflag:s26] =	ssyncset.done $0x0  }
0x3e: {  	s7 =	simm.s32 $0x4F00;
	[sflag:s26] =	ssyncadd.s32 $0xFFFFF000  }
0x3f: {  	[spmem:s3] =	stream.indirect.scatter.add.f32 [tilespmem:s23], [sflag:$0x4], $0x20, s7, s22, $0xb8;
	[tilespmem:$0x1EA00] =	vst v63  }
0x40: {  	_ =	swait.ge [sflag:s21], $0x1000  }
0x41: {  	[sflag:s21] =	ssyncset.done $0x0  }
0x42: {  	s11 =	simm.s32 $0x100;
	[sflag:s21] =	ssyncadd.s32 $0xFFFFF000  }
0x43: {  	[tilespmem:s23], [sflag:$0x2] =	stream.indirect.gather [hbm4b:s1+s22], $0x20, s11, s22, $0xb8;
	[tilespmem:$0x1EA00] =	vst v63  }
0x44: {  	_ =	swait.ge [sflag:s28], $0x1000  }
0x45: {  	[sflag:s28] =	ssyncset.done $0x0  }
0x46: {  	s19 =	simm.s32 $0x4F80;
	[sflag:s28] =	ssyncadd.s32 $0xFFFFF000  }
0x47: {  	[spmem:s3] =	stream.indirect.scatter.add.f32 [tilespmem:s24], [sflag:$0x4], $0x20, s19, s22, $0xb8;
	[tilespmem:$0x1EA00] =	vst v63  }
0x48: {  	_ =	swait.ge [sflag:s21], $0x1000  }
0x49: {  	[sflag:s21] =	ssyncset.done $0x0  }
0x4a: {  	s2 =	simm.s32 $0x400;
	s0 =	simm.s32 $0x180;
	[sflag:s21] =	ssyncadd.s32 $0xFFFFF000  }
.LBB2_4:
0x4b: {  	[tilespmem:s24], [sflag:$0x3] =	stream.indirect.gather [hbm4b:s1+s22], $0x20, s0, s22, $0xb8;
	[tilespmem:$0x1EA00] =	vst v63  }
0x4c: {  	s0 =	smov.u32 s2  }
0x4d: {  	p1 =	sne.s32 s2, $0x13400;
	s2 =	sadd.s32 $0x400, s2;
	_ =	swait.ge [sflag:s26], $0x1000  }
0x4e: {  	s0 =	sshra.s32 s0, $0x2;
	[sflag:s26] =	ssyncset.done $0x0  }
0x4f: {  	s4 =	sadd.s32 $0x4F00, s0;
	[sflag:s26] =	ssyncadd.s32 $0xFFFFF000  }
0x50: {  	[spmem:s3] =	stream.indirect.scatter.add.f32 [tilespmem:s23], [sflag:$0x4], $0x20, s4, s22, $0xb8;
	[tilespmem:$0x1EA00] =	vst v63  }
0x51: {  	_ =	swait.ge [sflag:s21], $0x1000  }
0x52: {  	[sflag:s21] =	ssyncset.done $0x0  }
0x53: {  	s4 =	sadd.s32 $0x100, s0;
	[sflag:s21] =	ssyncadd.s32 $0xFFFFF000  }
0x54: {  	[tilespmem:s23], [sflag:$0x2] =	stream.indirect.gather [hbm4b:s1+s22], $0x20, s4, s22, $0xb8;
	[tilespmem:$0x1EA00] =	vst v63  }
0x55: {  	_ =	swait.ge [sflag:s28], $0x1000  }
0x56: {  	[sflag:s28] =	ssyncset.done $0x0  }
.Ltmp1:
0x57: {  	s4 =	sadd.s32 $0x4F80, s0;
	[sflag:s28] =	ssyncadd.s32 $0xFFFFF000;
	(pc) =	sbr.rel @p1 .LBB2_4-.Ltmp1, $4  }
0x58: {  	[spmem:s3] =	stream.indirect.scatter.add.f32 [tilespmem:s24], [sflag:$0x4], $0x20, s4, s22, $0xb8;
	[tilespmem:$0x1EA00] =	vst v63  }
0x59: {  	_ =	swait.ge [sflag:s21], $0x1000  }
0x5a: {  	[sflag:s21] =	ssyncset.done $0x0  }
0x5b: {  	s0 =	sadd.s32 $0x180, s0;
	[sflag:s21] =	ssyncadd.s32 $0xFFFFF000  }
0x5c: {  	[tilespmem:s24], [sflag:$0x3] =	stream.indirect.gather [hbm4b:s1+s22], $0x20, s0, s22, $0xb8;
	[tilespmem:$0x1EA00] =	vst v63  }
0x5d: {  	_ =	swait.ge [sflag:s26], $0x1000  }
0x5e: {  	[sflag:s26] =	ssyncset.done $0x0  }
0x5f: {  	[sflag:s26] =	ssyncadd.s32 $0xFFFFF000  }
0x60: {  	[spmem:s3] =	stream.indirect.scatter.add.f32 [tilespmem:s23], [sflag:$0x4], $0x20, s29, s22, $0xb8;
	[tilespmem:$0x1EA00] =	vst v63  }
0x61: {  	_ =	swait.ge [sflag:s21], $0x1000  }
0x62: {  	[sflag:s21] =	ssyncset.done $0x0  }
0x63: {  	[sflag:s21] =	ssyncadd.s32 $0xFFFFF000  }
0x64: {  	_ =	swait.ge [sflag:s28], $0x1000  }
0x65: {  	[sflag:s28] =	ssyncset.done $0x0  }
0x66: {  	[sflag:s28] =	ssyncadd.s32 $0xFFFFF000  }
0x67: {  	[spmem:s3] =	stream.indirect.scatter.add.f32 [tilespmem:s24], [sflag:$0x4], $0x20, s30, s22, $0xb8;
	[tilespmem:$0x1EA00] =	vst v63  }
0x68: {  	_ =	swait.ge [sflag:s21], $0x1000  }
0x69: {  	s2 =	sshrl.u32 @p0 s14, $0x3;
	[sflag:s21] =	ssyncset.done $0x0  }
0x6a: {  	s0 =	simm.s32 @p0 $0x1;
	s4 =	simm.s32 @p0 $0x10;
	[sflag:s21] =	ssyncadd.s32 $0xFFFFF000  }
0x6b: {  	s6 =	simm.s32 @p0 $0x4;
	s19 =	simm.s32 @p0 $0x1FC4;
	[bflag:$0x0] =	sbarrier.arrive $0xFFFF  }
0x6c: {  	[hbm:s13@s4], [sflag:s19] =	dma.strided @p0 [spmem:s2@s6], $0x1C20, s0, $0x4   }
0x6d: {  	s7 =	simm.s32 @!p0 $0x4;
	s0 =	stileid.u32  }
0x6e: {  	s19 =	sshrl.u32 @!p0 s12, $0x3;
	_ =	swait.ge @p0 [sflag:s6], $0x1C20;
	s0 =	sshll.u32 @!p0 s0, $0x6  }
0x6f: {  	[sflag:s6] =	ssyncset.done @p0 $0x0;
	s4 =	sor.u32 @!p0 $0x1C04, s0;
	s0 =	simm.s32 @!p0 $0x1  }
0x70: {  	s11 =	rddreg [dreg:$0x7];
	[sflag:s6] =	ssyncadd.s32 @p0 $0xFFFFE3E0;
	s6 =	simm.s32 @!p0 $0x10  }
0x71: {  	[hbm:s11@s6], [sflag:s4] =	dma.strided @!p0 [spmem:s19@s7], $0x1D60, s0, $0x4   }
0x72: {  	_ =	swait.ge @!p0 [sflag:s7], $0x1D60  }
0x73: {  	[sflag:s7] =	ssyncset.done @!p0 $0x0  }
0x74: {  	[sflag:s7] =	ssyncadd.s32 @!p0 $0xFFFFE2A0  }
0x75: {  	s11 =	simm.s32 $0x0;
	[bflag:$0x0] =	sbarrier.arrive $0xFFFF  }
0x76: {  	[tilespmem:s11], [sflag:$0x4] =	stream.linear.gather [hbm4b:s15+s11], $0x4F00, $0x38;
	[tilespmem:$0x1EA00] =	vst v63  }
0x77: {  	_ =	swait.ge [sflag:s21], $0x4F00  }
0x78: {  	[sflag:s21] =	ssyncset.done $0x0  }
0x79: {  	[sflag:s21] =	ssyncadd.s32 $0xFFFFB100  }
0x7a: {  	[tilespmem:s23], [sflag:$0x2] =	stream.indirect.gather [hbm4b:s1+s22], $0x20, s11, s22, $0xb8;
	[tilespmem:$0x1EA00] =	vst v63  }
0x7b: {  	_ = 	snop  }
0x7c: {  	[tilespmem:s24], [sflag:$0x3] =	stream.indirect.gather [hbm4b:s1+s22], $0x20, s22, s22, $0xb8;
	[tilespmem:$0x1EA00] =	vst v63  }
0x7d: {  	_ = 	snop  }
0x7e: {  	[spmem:s5] =	stream.linear.scatter [tilespmem:s25], [sflag:$0x4], $0x3C00, $0x38;
	[tilespmem:$0x1EA00] =	vst v63  }
0x7f: {  	_ =	swait.ge [sflag:s21], $0x3C00  }
0x80: {  	[sflag:s21] =	ssyncset.done $0x0  }
0x81: {  	[sflag:s21] =	ssyncadd.s32 $0xFFFFC400  }
0x82: {  	[spmem:s8] =	stream.linear.scatter [tilespmem:s25], [sflag:$0x4], $0x3C00, $0x38;
	[tilespmem:$0x1EA00] =	vst v63  }
0x83: {  	_ =	swait.ge [sflag:s21], $0x3C00  }
0x84: {  	[sflag:s21] =	ssyncset.done $0x0  }
0x85: {  	[sflag:s21] =	ssyncadd.s32 $0xFFFFC400  }
0x86: {  	[spmem:s9] =	stream.linear.scatter [tilespmem:s25], [sflag:$0x4], $0x3C00, $0x38;
	[tilespmem:$0x1EA00] =	vst v63  }
0x87: {  	_ =	swait.ge [sflag:s21], $0x3C00  }
0x88: {  	[sflag:s21] =	ssyncset.done $0x0  }
0x89: {  	[sflag:s21] =	ssyncadd.s32 $0xFFFFC400  }
0x8a: {  	[spmem:s10] =	stream.linear.scatter [tilespmem:s25], [sflag:$0x4], $0x3C00, $0x38;
	[tilespmem:$0x1EA00] =	vst v63  }
0x8b: {  	_ =	swait.ge [sflag:s21], $0x3C00  }
0x8c: {  	[sflag:s21] =	ssyncset.done $0x0  }
0x8d: {  	[sflag:s21] =	ssyncadd.s32 $0xFFFFC400  }
0x8e: {  	[bflag:$0x0] =	sbarrier.arrive $0xFFFF  }
0x8f: {  	_ =	swait.ge [sflag:s26], $0x1000  }
0x90: {  	[sflag:s26] =	ssyncset.done $0x0  }
0x91: {  	s6 =	simm.s32 $0x4F00;
	[sflag:s26] =	ssyncadd.s32 $0xFFFFF000  }
0x92: {  	[spmem:s3] =	stream.indirect.scatter.add.f32 [tilespmem:s23], [sflag:$0x4], $0x20, s6, s22, $0xb8;
	[tilespmem:$0x1EA00] =	vst v63  }
0x93: {  	_ =	swait.ge [sflag:s21], $0x1000  }
0x94: {  	[sflag:s21] =	ssyncset.done $0x0  }
0x95: {  	s7 =	simm.s32 $0x100;
	[sflag:s21] =	ssyncadd.s32 $0xFFFFF000  }
0x96: {  	[tilespmem:s23], [sflag:$0x2] =	stream.indirect.gather [hbm4b:s1+s22], $0x20, s7, s22, $0xb8;
	[tilespmem:$0x1EA00] =	vst v63  }
0x97: {  	_ =	swait.ge [sflag:s28], $0x1000  }
0x98: {  	[sflag:s28] =	ssyncset.done $0x0  }
0x99: {  	s11 =	simm.s32 $0x4F80;
	[sflag:s28] =	ssyncadd.s32 $0xFFFFF000  }
0x9a: {  	[spmem:s3] =	stream.indirect.scatter.add.f32 [tilespmem:s24], [sflag:$0x4], $0x20, s11, s22, $0xb8;
	[tilespmem:$0x1EA00] =	vst v63  }
0x9b: {  	_ =	swait.ge [sflag:s21], $0x1000  }
0x9c: {  	[sflag:s21] =	ssyncset.done $0x0  }
0x9d: {  	s0 =	simm.s32 $0x400;
	s6 =	simm.s32 $0x180;
	[sflag:s21] =	ssyncadd.s32 $0xFFFFF000  }
.LBB2_6:
0x9e: {  	[tilespmem:s24], [sflag:$0x3] =	stream.indirect.gather [hbm4b:s1+s22], $0x20, s6, s22, $0xb8;
	[tilespmem:$0x1EA00] =	vst v63  }
0x9f: {  	s6 =	smov.u32 s0  }
0xa0: {  	p1 =	sne.s32 s0, $0x13400;
	s0 =	sadd.s32 $0x400, s0;
	_ =	swait.ge [sflag:s26], $0x1000  }
0xa1: {  	s6 =	sshra.s32 s6, $0x2;
	[sflag:s26] =	ssyncset.done $0x0  }
0xa2: {  	s7 =	sadd.s32 $0x4F00, s6;
	[sflag:s26] =	ssyncadd.s32 $0xFFFFF000  }
0xa3: {  	[spmem:s3] =	stream.indirect.scatter.add.f32 [tilespmem:s23], [sflag:$0x4], $0x20, s7, s22, $0xb8;
	[tilespmem:$0x1EA00] =	vst v63  }
0xa4: {  	_ =	swait.ge [sflag:s21], $0x1000  }
0xa5: {  	[sflag:s21] =	ssyncset.done $0x0  }
0xa6: {  	s7 =	sadd.s32 $0x100, s6;
	[sflag:s21] =	ssyncadd.s32 $0xFFFFF000  }
0xa7: {  	[tilespmem:s23], [sflag:$0x2] =	stream.indirect.gather [hbm4b:s1+s22], $0x20, s7, s22, $0xb8;
	[tilespmem:$0x1EA00] =	vst v63  }
0xa8: {  	_ =	swait.ge [sflag:s28], $0x1000  }
0xa9: {  	[sflag:s28] =	ssyncset.done $0x0  }
.Ltmp2:
0xaa: {  	s7 =	sadd.s32 $0x4F80, s6;
	[sflag:s28] =	ssyncadd.s32 $0xFFFFF000;
	(pc) =	sbr.rel @p1 .LBB2_6-.Ltmp2, $4  }
0xab: {  	[spmem:s3] =	stream.indirect.scatter.add.f32 [tilespmem:s24], [sflag:$0x4], $0x20, s7, s22, $0xb8;
	[tilespmem:$0x1EA00] =	vst v63  }
0xac: {  	_ =	swait.ge [sflag:s21], $0x1000  }
0xad: {  	[sflag:s21] =	ssyncset.done $0x0  }
0xae: {  	s6 =	sadd.s32 $0x180, s6;
	[sflag:s21] =	ssyncadd.s32 $0xFFFFF000  }
0xaf: {  	[tilespmem:s24], [sflag:$0x3] =	stream.indirect.gather [hbm4b:s1+s22], $0x20, s6, s22, $0xb8;
	[tilespmem:$0x1EA00] =	vst v63  }
0xb0: {  	_ =	swait.ge [sflag:s26], $0x1000  }
0xb1: {  	[sflag:s26] =	ssyncset.done $0x0  }
0xb2: {  	[sflag:s26] =	ssyncadd.s32 $0xFFFFF000  }
0xb3: {  	[spmem:s3] =	stream.indirect.scatter.add.f32 [tilespmem:s23], [sflag:$0x4], $0x20, s29, s22, $0xb8;
	[tilespmem:$0x1EA00] =	vst v63  }
0xb4: {  	_ =	swait.ge [sflag:s21], $0x1000  }
0xb5: {  	[sflag:s21] =	ssyncset.done $0x0  }
0xb6: {  	[sflag:s21] =	ssyncadd.s32 $0xFFFFF000  }
0xb7: {  	_ =	swait.ge [sflag:s28], $0x1000  }
0xb8: {  	[sflag:s28] =	ssyncset.done $0x0  }
0xb9: {  	[sflag:s28] =	ssyncadd.s32 $0xFFFFF000  }
0xba: {  	[spmem:s3] =	stream.indirect.scatter.add.f32 [tilespmem:s24], [sflag:$0x4], $0x20, s30, s22, $0xb8;
	[tilespmem:$0x1EA00] =	vst v63  }
0xbb: {  	_ =	swait.ge [sflag:s21], $0x1000  }
0xbc: {  	[sflag:s21] =	ssyncset.done $0x0  }
0xbd: {  	s0 =	simm.s32 @p0 $0x1;
	s6 =	simm.s32 @p0 $0x10;
	[sflag:s21] =	ssyncadd.s32 $0xFFFFF000  }
0xbe: {  	s7 =	simm.s32 @p0 $0x4;
	s11 =	simm.s32 @p0 $0x1FC4;
	[bflag:$0x0] =	sbarrier.arrive $0xFFFF  }
0xbf: {  	[hbm:s17@s6], [sflag:s11] =	dma.strided @p0 [spmem:s2@s7], $0x1C20, s0, $0x4   }
0xc0: {  	s31 =	sadd.s32 $0x1, s31;
	_ =	swait.ge @p0 [sflag:s7], $0x1C20  }
0xc1: {  	p1 =	sne.s32 s31, s18;
	s0 =	simm.s32 @!p0 $0x1;
	[sflag:s7] =	ssyncset.done @p0 $0x0  }
0xc2: {  	s2 =	simm.s32 @!p0 $0x10;
	s6 =	simm.s32 @!p0 $0x4;
	[sflag:s7] =	ssyncadd.s32 @p0 $0xFFFFE3E0  }
0xc3: {  	[hbm:s16@s2], [sflag:s4] =	dma.strided @!p0 [spmem:s19@s6], $0x1D60, s0, $0x4   }
.Ltmp3:
0xc4: {  	_ =	swait.ge @!p0 [sflag:s6], $0x1D60;
	(pc) =	sbr.rel @p1 .LBB2_1-.Ltmp3, $3  }
0xc5: {  	[sflag:s6] =	ssyncset.done @!p0 $0x0  }
0xc6: {  	[sflag:s6] =	ssyncadd.s32 @!p0 $0xFFFFE2A0  }
0xc7: {  	[bflag:$0x0] =	sbarrier.arrive $0xFFFF;
	_ =	sdelay $0x1  }
0xc8: {  	_ =	sfence.sel $0x180000  }
0xc9: {  	[bflag:$0x0] =	sbarrier.arrive $0xFFFF  }
0xca: {  	_ =	strace $0x90000047  }
0xcb: {  	s0 =	stileid.u32;
	[bflag:$0x2] =	sbarrier.arrive $0xFFFF  }
0xcc: {  	p0 =	sne.s32 s0, $0x0;
	s0 =	rddreg [dreg:$0x4]  }
0xcd: {  	s0 =	sadd.s32 @!p0 $0x100000, s0  }
0xce: {  	[sflag:s0] =	ssyncadd.tile.s32 @!p0 $0x1;
	_ =	shalt  }
.Lfunc_end2:
_tile_overlayer_lowered:
.L_overlay_start_2:
0xcf: {  	(tag) =	ssettag $0x2  }
0xd0: {  	s0 =	rddreg [dreg:$0x0];
	s2 =	stileid.u32  }
0xd1: {  	s1 =	rddreg [dreg:$0x1];
	p0 =	sne.s32 s2, $0x0  }
0xd2: {  	s3 =	rddreg [dreg:$0x2];
	[bflag:$0x3] =	sbarrier.arrive $0xFFFF;
	s2 =	simm.s32 @!p0 $0x1C04  }
0xd3: {  	[timem:s3], [sflag:s2] =	dma.local @!p0 [hbm:s0], s1  }
0xd4: {  	s0 =	simm.s32 @!p0 $0x4  }
0xd5: {  	_ =	swait.ge @!p0 [sflag:s0], s1  }
0xd6: {  	s1 =	ssub.s32 @!p0 $0x0, s1;
	[sflag:s0] =	ssyncset.done @!p0 $0x0  }
0xd7: {  	[sflag:s0] =	ssyncadd.s32 @!p0 s1  }
0xd8: {  	[bflag:$0x3] =	sbarrier.arrive $0xFFFF  }
0xd9: {  	_ =	shalt  }

</sc_bundles>
